<compile_context>
chip_gen: v7x
topology: tpu7x:2x2x1
jax: 0.10.2.dev20260603
libtpu: 0.0.44.dev20260713+nightly
codegen_flags: <defaults>
</compile_context>

<pallas_src>
import jax
import jax.numpy as jnp
from jax import lax
from jax.experimental import pallas as pl
from jax.experimental.pallas import tpu as pltpu
from jax.experimental.pallas import tpu_sc as plsc

N = 10000
E = 320000
D = 128

NC = 2
NS = 16
NW = NC * NS
CHUNK = 80
UNIT = NW * CHUNK
BK = 3200

SIZES = (125,)



def _proj_body(x_ref, wst_ref, wdt_ref, ps_ref, pd_ref):
    xv = x_ref[...]
    ps_ref[...] = jnp.dot(xv, wst_ref[...], preferred_element_type=jnp.float32)
    pd_ref[...] = jnp.dot(xv, wdt_ref[...], preferred_element_type=jnp.float32)


def _node_projections(x, wst, wdt):
    return pl.pallas_call(
        _proj_body,
        out_shape=(
            jax.ShapeDtypeStruct((N, D), jnp.float32),
            jax.ShapeDtypeStruct((N, D), jnp.float32),
        ),
    )(x, wst, wdt)



def _make_sc_body(epw, nchunk):
    def _sc_body(ps_hbm, pd_hbm, src_hbm, dst_hbm, out_hbm, src_v, dst_v,
                 bs0, bd0, bs1, bd1, bs2, bd2,
                 ss0, sd0, ss1, sd1, ss2, sd2, so0, so1, so2):
        wid = lax.axis_index("s") * NC + lax.axis_index("c")
        base = wid * epw
        pltpu.sync_copy(src_hbm.at[pl.ds(base, epw)], src_v)
        pltpu.sync_copy(dst_hbm.at[pl.ds(base, epw)], dst_v)

        slots = ((bs0, bd0, ss0, sd0, so0),
                 (bs1, bd1, ss1, sd1, so1),
                 (bs2, bd2, ss2, sd2, so2))

        def start(ci, sl):
            bs, bd, ss, sd, _ = sl
            off = pl.multiple_of(ci * CHUNK, CHUNK)
            pltpu.async_copy(ps_hbm.at[src_v.at[pl.ds(off, CHUNK)]], bs, ss)
            pltpu.async_copy(pd_hbm.at[dst_v.at[pl.ds(off, CHUNK)]], bd, sd)

        def wait_store(ci, sl):
            bs, _, _, _, so = sl
            off = pl.multiple_of(ci * CHUNK, CHUNK)
            pltpu.make_async_copy(bs, out_hbm.at[pl.ds(base + off, CHUNK)], so).wait()

        def process(ci, sl):
            bs, bd, ss, sd, so = sl
            off = pl.multiple_of(ci * CHUNK, CHUNK)
            pltpu.make_async_copy(ps_hbm.at[src_v.at[pl.ds(off, CHUNK)]], bs, ss).wait()
            pltpu.make_async_copy(pd_hbm.at[dst_v.at[pl.ds(off, CHUNK)]], bd, sd).wait()

            @plsc.parallel_loop(0, CHUNK, 1, unroll=8)
            def add_row(r):
                for j in range(D // 16):
                    sl2 = pl.ds(j * 16, 16)
                    plsc.addupdate(bs.at[r, sl2], bd[r, sl2])
            pltpu.async_copy(bs, out_hbm.at[pl.ds(base + off, CHUNK)], so)

        start(0, slots[0])
        start(1, slots[1])
        k3 = (nchunk - 2) // 3

        def body(g, _):
            c0 = g * 3
            for k in range(3):
                c = c0 + k
                process(c, slots[k])

                @pl.when(c > 0)
                def _(c=c, k=k):
                    wait_store(c - 1, slots[(k + 2) % 3])

                start(c + 2, slots[(k + 2) % 3])
            return 0

        lax.fori_loop(0, k3, body, 0)
        for c in range(3 * k3, nchunk):
            process(c, slots[c % 3])
            wait_store(c - 1, slots[(c - 1) % 3])
            if c + 2 < nchunk:
                start(c + 2, slots[(c + 2) % 3])
        wait_store(nchunk - 1, slots[(nchunk - 1) % 3])

    return _sc_body


def _edge_gather_add(ps, pd, srck, dstk, rows):
    epw = rows // NW
    nchunk = epw // CHUNK
    mesh = plsc.VectorSubcoreMesh(core_axis_name="c", subcore_axis_name="s")
    return pl.kernel(
        _make_sc_body(epw, nchunk),
        out_type=jax.ShapeDtypeStruct((rows, D), jnp.float32),
        mesh=mesh,
        scratch_types=(
            [pltpu.VMEM((epw,), jnp.int32)] * 2
            + [pltpu.VMEM((CHUNK, D), jnp.float32)] * 6
            + [pltpu.SemaphoreType.DMA] * 9
        ),
    )(ps, pd, srck, dstk)



def _final_body(e_ref, wet_ref, b_ref, g_ref, out_ref):
    out_ref[...] = (
        jnp.dot(e_ref[...], wet_ref[...], preferred_element_type=jnp.float32)
        + g_ref[...]
        + b_ref[...]
    )


def _final_body_aliased(e_ref, wet_ref, b_ref, g_ref, prev_ref, out_ref):
    del prev_ref
    _final_body(e_ref, wet_ref, b_ref, g_ref, out_ref)


def _final_slice(e, wet, b2, g, out_prev, base_blk, nblk):
    in_specs = [
        pl.BlockSpec((BK, 16), lambda i: (base_blk + i, 0)),
        pl.BlockSpec((16, D), lambda i: (0, 0)),
        pl.BlockSpec((1, D), lambda i: (0, 0)),
        pl.BlockSpec((BK, D), lambda i: (i, 0)),
    ]
    out_spec = pl.BlockSpec((BK, D), lambda i: (base_blk + i, 0))
    out_shape = jax.ShapeDtypeStruct((E, D), jnp.float32)
    if out_prev is None:
        return pl.pallas_call(
            _final_body,
            grid=(nblk,),
            in_specs=in_specs,
            out_specs=out_spec,
            out_shape=out_shape,
        )(e, wet, b2, g)
    return pl.pallas_call(
        _final_body_aliased,
        grid=(nblk,),
        in_specs=in_specs + [pl.BlockSpec(memory_space=pl.ANY)],
        out_specs=out_spec,
        out_shape=out_shape,
        input_output_aliases={4: 0},
    )(e, wet, b2, g, out_prev)



def kernel(x, e, edge_index, W, b):
    wet = W[:, :16].T
    wst = W[:, 16:16 + D].T
    wdt = W[:, 16 + D:].T
    src = edge_index[0]
    dst = edge_index[1]
    b2 = b.reshape(1, D)
    ps, pd = _node_projections(x, wst, wdt)

    bounds = []
    r0 = 0
    for s in SIZES:
        bounds.append((r0, s * UNIT))
        r0 += s * UNIT

    gs = [
        _edge_gather_add(ps, pd, src[r0:r0 + rows], dst[r0:r0 + rows], rows)
        for r0, rows in bounds
    ]
    out = None
    for (r0, rows), g in zip(bounds, gs):
        out = _final_slice(e, wet, b2, g, out, r0 // BK, rows // BK)
    return out

# --- scband reference (transcript-rebuilt; emitter-appended) ---
"""Pipeline reference for scband-edge-block-31885837206099 (READ-ONLY COPY).

The authoritative reference and input builder live on the scoring server;
editing this copy changes nothing except your own understanding.
"""

import jax, jax.numpy as jnp
import numpy as np

N = 10000
E = 320000
D_FEAT = 128
D_EDGE = 16
IN_FEATS = D_EDGE + 2 * D_FEAT  # 272
OUT_FEATS = 128


def setup_inputs(seed: int = 0) -> dict:
    key = jax.random.key(seed)
    k1, k2, k3, k4, k5 = jax.random.split(key, 5)
    x = jax.random.normal(k1, (N, D_FEAT), dtype=jnp.float32)
    e = jax.random.normal(k2, (E, D_EDGE), dtype=jnp.float32)
    edge_index = jax.random.randint(k3, (2, E), 0, N, dtype=jnp.int32)
    # nn.Linear(in_feats, out_feats) parameters, torch default init
    bound = 1.0 / np.sqrt(IN_FEATS)
    W = jax.random.uniform(k4, (OUT_FEATS, IN_FEATS), dtype=jnp.float32, minval=-bound, maxval=bound)
    b = jax.random.uniform(k5, (OUT_FEATS,), dtype=jnp.float32, minval=-bound, maxval=bound)
    return {"x": x, "e": e, "edge_index": edge_index, "W": W, "b": b}


def reference(x, e, edge_index, W, b):
    # EdgeBlock.forward with use_edges=True, use_sender_nodes=True,
    # use_receiver_nodes=True, use_globals=False, recurrent=False.
    # DGL apply_edges(send_func): per-edge concat of [edge_feat, src_feat, dst_feat]
    # followed by nn.Linear.
    src = edge_index[0]
    dst = edge_index[1]
    x_src = jnp.take(x, src, axis=0)   # gather sender node features per edge
    x_dst = jnp.take(x, dst, axis=0)   # gather receiver node features per edge
    collected = jnp.concatenate([e, x_src, x_dst], axis=-1)  # [E, 272]
    h_e = collected @ W.T + b          # nn.Linear
    return h_e

if __name__ == "__main__":
    import jax
    _d = setup_inputs()
    print(jax.jit(kernel)(*tuple(_d.values())))

</pallas_src>

<mosaic_0001>
#map = affine_map<(d0, d1) -> (0, 0)>
#map1 = affine_map<(d0, d1) -> (0)>
module attributes {stable_mosaic.version = 14 : i64} {
  func.func @_sc_body(%arg0: i32, %arg1: i32, %arg2: memref<10000x128xf32, #tpu.memory_space<hbm>>, %arg3: memref<10000x128xf32, #tpu.memory_space<hbm>>, %arg4: memref<320000xi32, #tpu.memory_space<hbm>>, %arg5: memref<320000xi32, #tpu.memory_space<hbm>>, %arg6: memref<320000x128xf32, #tpu.memory_space<hbm>>, %arg7: memref<10000xi32, #tpu.memory_space<vmem>>, %arg8: memref<10000xi32, #tpu.memory_space<vmem>>, %arg9: memref<80x128xf32, #tpu.memory_space<vmem>>, %arg10: memref<80x128xf32, #tpu.memory_space<vmem>>, %arg11: memref<80x128xf32, #tpu.memory_space<vmem>>, %arg12: memref<80x128xf32, #tpu.memory_space<vmem>>, %arg13: memref<80x128xf32, #tpu.memory_space<vmem>>, %arg14: memref<80x128xf32, #tpu.memory_space<vmem>>, %arg15: memref<!tpu.dma_semaphore, #tpu.memory_space<semaphore_mem>>, %arg16: memref<!tpu.dma_semaphore, #tpu.memory_space<semaphore_mem>>, %arg17: memref<!tpu.dma_semaphore, #tpu.memory_space<semaphore_mem>>, %arg18: memref<!tpu.dma_semaphore, #tpu.memory_space<semaphore_mem>>, %arg19: memref<!tpu.dma_semaphore, #tpu.memory_space<semaphore_mem>>, %arg20: memref<!tpu.dma_semaphore, #tpu.memory_space<semaphore_mem>>, %arg21: memref<!tpu.dma_semaphore, #tpu.memory_space<semaphore_mem>>, %arg22: memref<!tpu.dma_semaphore, #tpu.memory_space<semaphore_mem>>, %arg23: memref<!tpu.dma_semaphore, #tpu.memory_space<semaphore_mem>>) attributes {dimension_semantics = [#tpu.dimension_semantics<core_parallel>, #tpu.dimension_semantics<subcore_parallel>], iteration_bounds = array<i64: 2, 16>, scalar_prefetch = 0 : i64, scratch_operands = 17 : i64, tpu.core_type = #tpu.core_type<sc_vector_subcore>, window_params = [{transform_indices = #map}, {transform_indices = #map}, {transform_indices = #map1}, {transform_indices = #map1}, {transform_indices = #map}]} {
    %mul3A = arith.constant 2 : i32
    %mul3A_0 = arith.muli %arg1, %mul3A : i32
    %add3A = arith.addi %mul3A_0, %arg0 : i32
    %mul3A_1 = arith.constant 10000 : i32
    %mul3A_2 = arith.muli %add3A, %mul3A_1 : i32
    "tpu.region"() ({
      %run_scoped3A = tpu.sem_alloc : memref<!tpu.dma_semaphore, #tpu.memory_space<semaphore_mem>>
      %dma_start3A_82 = tpu.memref_slice %arg4[%mul3A_2] : memref<320000xi32, #tpu.memory_space<hbm>> -> memref<10000xi32, #tpu.memory_space<hbm>>
      %dma_start3A_83 = tpu.memref_slice %arg4[%mul3A_2] : memref<320000xi32, #tpu.memory_space<hbm>> -> memref<10000xi32, #tpu.memory_space<hbm>>
      tpu.enqueue_dma source(%dma_start3A_83 : memref<10000xi32, #tpu.memory_space<hbm>>) target(%arg7 : memref<10000xi32, #tpu.memory_space<vmem>>) target_semaphore(%run_scoped3A : memref<!tpu.dma_semaphore, #tpu.memory_space<semaphore_mem>>)
      %dma_wait3A_84 = tpu.memref_slice %arg4[%mul3A_2] : memref<320000xi32, #tpu.memory_space<hbm>> -> memref<10000xi32, #tpu.memory_space<hbm>>
      %dma_wait3A_85 = tpu.memref_slice %arg4[%mul3A_2] : memref<320000xi32, #tpu.memory_space<hbm>> -> memref<10000xi32, #tpu.memory_space<hbm>>
      tpu.wait_dma2 semaphore(%run_scoped3A : memref<!tpu.dma_semaphore, #tpu.memory_space<semaphore_mem>>) src(%dma_wait3A_85 : memref<10000xi32, #tpu.memory_space<hbm>>) dst(%arg7 : memref<10000xi32, #tpu.memory_space<vmem>>)
      tpu.yield
    }) : () -> ()
    "tpu.region"() ({
      %run_scoped3A = tpu.sem_alloc : memref<!tpu.dma_semaphore, #tpu.memory_space<semaphore_mem>>
      %dma_start3A_82 = tpu.memref_slice %arg5[%mul3A_2] : memref<320000xi32, #tpu.memory_space<hbm>> -> memref<10000xi32, #tpu.memory_space<hbm>>
      %dma_start3A_83 = tpu.memref_slice %arg5[%mul3A_2] : memref<320000xi32, #tpu.memory_space<hbm>> -> memref<10000xi32, #tpu.memory_space<hbm>>
      tpu.enqueue_dma source(%dma_start3A_83 : memref<10000xi32, #tpu.memory_space<hbm>>) target(%arg8 : memref<10000xi32, #tpu.memory_space<vmem>>) target_semaphore(%run_scoped3A : memref<!tpu.dma_semaphore, #tpu.memory_space<semaphore_mem>>)
      %dma_wait3A_84 = tpu.memref_slice %arg5[%mul3A_2] : memref<320000xi32, #tpu.memory_space<hbm>> -> memref<10000xi32, #tpu.memory_space<hbm>>
      %dma_wait3A_85 = tpu.memref_slice %arg5[%mul3A_2] : memref<320000xi32, #tpu.memory_space<hbm>> -> memref<10000xi32, #tpu.memory_space<hbm>>
      tpu.wait_dma2 semaphore(%run_scoped3A : memref<!tpu.dma_semaphore, #tpu.memory_space<semaphore_mem>>) src(%dma_wait3A_85 : memref<10000xi32, #tpu.memory_space<hbm>>) dst(%arg8 : memref<10000xi32, #tpu.memory_space<vmem>>)
      tpu.yield
    }) : () -> ()
    %multiple_of3A = arith.constant 0 : i32
    %multiple_of3A_3 = tpu.assume_multiple %multiple_of3A, 80 : i32
    %dma_start3A = tpu.memref_slice %arg7[%multiple_of3A_3] : memref<10000xi32, #tpu.memory_space<vmem>> -> memref<80xi32, #tpu.memory_space<vmem>>
    %dma_start3A_4 = arith.constant 0 : i32
    %dma_start3A_5 = arith.constant 0 : i32
    %dma_start3A_6 = tpu.memref_slice %arg2[%dma_start3A_4, %dma_start3A_5] : memref<10000x128xf32, #tpu.memory_space<hbm>> -> memref<10000x128xf32, #tpu.memory_space<hbm>>
    tpu.enqueue_indirect_dma source(%dma_start3A_6 : memref<10000x128xf32, #tpu.memory_space<hbm>>) target(%arg9 : memref<80x128xf32, #tpu.memory_space<vmem>>) offsets(%dma_start3A : memref<80xi32, #tpu.memory_space<vmem>>) semaphore(%arg15 : memref<!tpu.dma_semaphore, #tpu.memory_space<semaphore_mem>>)
    %dma_start3A_7 = tpu.memref_slice %arg8[%multiple_of3A_3] : memref<10000xi32, #tpu.memory_space<vmem>> -> memref<80xi32, #tpu.memory_space<vmem>>
    %dma_start3A_8 = arith.constant 0 : i32
    %dma_start3A_9 = arith.constant 0 : i32
    %dma_start3A_10 = tpu.memref_slice %arg3[%dma_start3A_8, %dma_start3A_9] : memref<10000x128xf32, #tpu.memory_space<hbm>> -> memref<10000x128xf32, #tpu.memory_space<hbm>>
    tpu.enqueue_indirect_dma source(%dma_start3A_10 : memref<10000x128xf32, #tpu.memory_space<hbm>>) target(%arg10 : memref<80x128xf32, #tpu.memory_space<vmem>>) offsets(%dma_start3A_7 : memref<80xi32, #tpu.memory_space<vmem>>) semaphore(%arg16 : memref<!tpu.dma_semaphore, #tpu.memory_space<semaphore_mem>>)
    %multiple_of3A_11 = arith.constant 80 : i32
    %multiple_of3A_12 = tpu.assume_multiple %multiple_of3A_11, 80 : i32
    %dma_start3A_13 = tpu.memref_slice %arg7[%multiple_of3A_12] : memref<10000xi32, #tpu.memory_space<vmem>> -> memref<80xi32, #tpu.memory_space<vmem>>
    %dma_start3A_14 = arith.constant 0 : i32
    %dma_start3A_15 = arith.constant 0 : i32
    %dma_start3A_16 = tpu.memref_slice %arg2[%dma_start3A_14, %dma_start3A_15] : memref<10000x128xf32, #tpu.memory_space<hbm>> -> memref<10000x128xf32, #tpu.memory_space<hbm>>
    tpu.enqueue_indirect_dma source(%dma_start3A_16 : memref<10000x128xf32, #tpu.memory_space<hbm>>) target(%arg11 : memref<80x128xf32, #tpu.memory_space<vmem>>) offsets(%dma_start3A_13 : memref<80xi32, #tpu.memory_space<vmem>>) semaphore(%arg17 : memref<!tpu.dma_semaphore, #tpu.memory_space<semaphore_mem>>)
    %dma_start3A_17 = tpu.memref_slice %arg8[%multiple_of3A_12] : memref<10000xi32, #tpu.memory_space<vmem>> -> memref<80xi32, #tpu.memory_space<vmem>>
    %dma_start3A_18 = arith.constant 0 : i32
    %dma_start3A_19 = arith.constant 0 : i32
    %dma_start3A_20 = tpu.memref_slice %arg3[%dma_start3A_18, %dma_start3A_19] : memref<10000x128xf32, #tpu.memory_space<hbm>> -> memref<10000x128xf32, #tpu.memory_space<hbm>>
    tpu.enqueue_indirect_dma source(%dma_start3A_20 : memref<10000x128xf32, #tpu.memory_space<hbm>>) target(%arg12 : memref<80x128xf32, #tpu.memory_space<vmem>>) offsets(%dma_start3A_17 : memref<80xi32, #tpu.memory_space<vmem>>) semaphore(%arg18 : memref<!tpu.dma_semaphore, #tpu.memory_space<semaphore_mem>>)
    %scan3A = arith.constant 0 : i32
    %scan3A_21 = arith.constant 0 : i32
    %scan3A_22 = arith.constant 41 : i32
    %scan3A_23 = arith.addi %scan3A_21, %scan3A_22 : i32
    %scan3A_24 = arith.constant 1 : i32
    %scan3A_25 = scf.for %scan3A_82 = %scan3A_21 to %scan3A_23 step %scan3A_24 iter_args(%scan3A_83 = %scan3A) -> (i32)  : i32 {
      %mul3A_84 = arith.constant 3 : i32
      %mul3A_85 = arith.muli %scan3A_82, %mul3A_84 : i32
      %add3A_86 = arith.constant 0 : i32
      %add3A_87 = arith.addi %mul3A_85, %add3A_86 : i32
      %mul3A_88 = arith.constant 80 : i32
      %mul3A_89 = arith.muli %add3A_87, %mul3A_88 : i32
      %multiple_of3A_90 = tpu.assume_multiple %mul3A_89, 80 : i32
      %dma_wait3A_91 = tpu.memref_slice %arg7[%multiple_of3A_90] : memref<10000xi32, #tpu.memory_space<vmem>> -> memref<80xi32, #tpu.memory_space<vmem>>
      %dma_wait3A_92 = arith.constant 0 : i32
      %dma_wait3A_93 = arith.constant 0 : i32
      %dma_wait3A_94 = tpu.memref_slice %arg2[%dma_wait3A_92, %dma_wait3A_93] : memref<10000x128xf32, #tpu.memory_space<hbm>> -> memref<10000x128xf32, #tpu.memory_space<hbm>>
      tpu.wait_indirect_dma semaphore(%arg15 : memref<!tpu.dma_semaphore, #tpu.memory_space<semaphore_mem>>) src(%dma_wait3A_94 : memref<10000x128xf32, #tpu.memory_space<hbm>>) dst(%arg9 : memref<80x128xf32, #tpu.memory_space<vmem>>)
      %dma_wait3A_95 = tpu.memref_slice %arg8[%multiple_of3A_90] : memref<10000xi32, #tpu.memory_space<vmem>> -> memref<80xi32, #tpu.memory_space<vmem>>
      %dma_wait3A_96 = arith.constant 0 : i32
      %dma_wait3A_97 = arith.constant 0 : i32
      %dma_wait3A_98 = tpu.memref_slice %arg3[%dma_wait3A_96, %dma_wait3A_97] : memref<10000x128xf32, #tpu.memory_space<hbm>> -> memref<10000x128xf32, #tpu.memory_space<hbm>>
      tpu.wait_indirect_dma semaphore(%arg16 : memref<!tpu.dma_semaphore, #tpu.memory_space<semaphore_mem>>) src(%dma_wait3A_98 : memref<10000x128xf32, #tpu.memory_space<hbm>>) dst(%arg10 : memref<80x128xf32, #tpu.memory_space<vmem>>)
      %parallel_loop3A_99 = arith.constant 0 : i32
      %parallel_loop3A_100 = arith.constant 80 : i32
      %parallel_loop3A_101 = arith.constant 1 : i32
      scf.for %parallel_loop3A_201 = %parallel_loop3A_99 to %parallel_loop3A_100 step %parallel_loop3A_101  : i32 {
        %parallel_loop3A_202 = arith.index_cast %parallel_loop3A_201 : i32 to index
        %parallel_loop3A_203 = arith.constant 0 : index
        %parallel_loop3A_204 = tpu.vector_load %arg10[%parallel_loop3A_202, %parallel_loop3A_203] {strides = array<i32>} : memref<80x128xf32, #tpu.memory_space<vmem>>, vector<1x16xf32>,
        %parallel_loop3A_205 = vector.shape_cast %parallel_loop3A_204 : vector<1x16xf32> to vector<16xf32>
        %parallel_loop3A_206 = arith.index_cast %parallel_loop3A_201 : i32 to index
        %parallel_loop3A_207 = arith.constant 0 : index
        %parallel_loop3A_208 = tpu.vector_load %arg9[%parallel_loop3A_206, %parallel_loop3A_207] {strides = array<i32>} : memref<80x128xf32, #tpu.memory_space<vmem>>, vector<1x16xf32>,
        %parallel_loop3A_209 = vector.shape_cast %parallel_loop3A_208 : vector<1x16xf32> to vector<16xf32>
        %parallel_loop3A_210 = vector.shape_cast %parallel_loop3A_205 : vector<16xf32> to vector<1x16xf32>
        tpu.vector_store %arg9[%parallel_loop3A_206, %parallel_loop3A_207], %parallel_loop3A_210 {add = true, strides = array<i32>} : memref<80x128xf32, #tpu.memory_space<vmem>>, vector<1x16xf32>,
        %parallel_loop3A_211 = arith.index_cast %parallel_loop3A_201 : i32 to index
        %parallel_loop3A_212 = arith.constant 16 : index
        %parallel_loop3A_213 = tpu.vector_load %arg10[%parallel_loop3A_211, %parallel_loop3A_212] {strides = array<i32>} : memref<80x128xf32, #tpu.memory_space<vmem>>, vector<1x16xf32>,
        %parallel_loop3A_214 = vector.shape_cast %parallel_loop3A_213 : vector<1x16xf32> to vector<16xf32>
        %parallel_loop3A_215 = arith.index_cast %parallel_loop3A_201 : i32 to index
        %parallel_loop3A_216 = arith.constant 16 : index
        %parallel_loop3A_217 = tpu.vector_load %arg9[%parallel_loop3A_215, %parallel_loop3A_216] {strides = array<i32>} : memref<80x128xf32, #tpu.memory_space<vmem>>, vector<1x16xf32>,
        %parallel_loop3A_218 = vector.shape_cast %parallel_loop3A_217 : vector<1x16xf32> to vector<16xf32>
        %parallel_loop3A_219 = vector.shape_cast %parallel_loop3A_214 : vector<16xf32> to vector<1x16xf32>
        tpu.vector_store %arg9[%parallel_loop3A_215, %parallel_loop3A_216], %parallel_loop3A_219 {add = true, strides = array<i32>} : memref<80x128xf32, #tpu.memory_space<vmem>>, vector<1x16xf32>,
        %parallel_loop3A_220 = arith.index_cast %parallel_loop3A_201 : i32 to index
        %parallel_loop3A_221 = arith.constant 32 : index
        %parallel_loop3A_222 = tpu.vector_load %arg10[%parallel_loop3A_220, %parallel_loop3A_221] {strides = array<i32>} : memref<80x128xf32, #tpu.memory_space<vmem>>, vector<1x16xf32>,
        %parallel_loop3A_223 = vector.shape_cast %parallel_loop3A_222 : vector<1x16xf32> to vector<16xf32>
        %parallel_loop3A_224 = arith.index_cast %parallel_loop3A_201 : i32 to index
        %parallel_loop3A_225 = arith.constant 32 : index
        %parallel_loop3A_226 = tpu.vector_load %arg9[%parallel_loop3A_224, %parallel_loop3A_225] {strides = array<i32>} : memref<80x128xf32, #tpu.memory_space<vmem>>, vector<1x16xf32>,
        %parallel_loop3A_227 = vector.shape_cast %parallel_loop3A_226 : vector<1x16xf32> to vector<16xf32>
        %parallel_loop3A_228 = vector.shape_cast %parallel_loop3A_223 : vector<16xf32> to vector<1x16xf32>
        tpu.vector_store %arg9[%parallel_loop3A_224, %parallel_loop3A_225], %parallel_loop3A_228 {add = true, strides = array<i32>} : memref<80x128xf32, #tpu.memory_space<vmem>>, vector<1x16xf32>,
        %parallel_loop3A_229 = arith.index_cast %parallel_loop3A_201 : i32 to index
        %parallel_loop3A_230 = arith.constant 48 : index
        %parallel_loop3A_231 = tpu.vector_load %arg10[%parallel_loop3A_229, %parallel_loop3A_230] {strides = array<i32>} : memref<80x128xf32, #tpu.memory_space<vmem>>, vector<1x16xf32>,
        %parallel_loop3A_232 = vector.shape_cast %parallel_loop3A_231 : vector<1x16xf32> to vector<16xf32>
        %parallel_loop3A_233 = arith.index_cast %parallel_loop3A_201 : i32 to index
        %parallel_loop3A_234 = arith.constant 48 : index
        %parallel_loop3A_235 = tpu.vector_load %arg9[%parallel_loop3A_233, %parallel_loop3A_234] {strides = array<i32>} : memref<80x128xf32, #tpu.memory_space<vmem>>, vector<1x16xf32>,
        %parallel_loop3A_236 = vector.shape_cast %parallel_loop3A_235 : vector<1x16xf32> to vector<16xf32>
        %parallel_loop3A_237 = vector.shape_cast %parallel_loop3A_232 : vector<16xf32> to vector<1x16xf32>
        tpu.vector_store %arg9[%parallel_loop3A_233, %parallel_loop3A_234], %parallel_loop3A_237 {add = true, strides = array<i32>} : memref<80x128xf32, #tpu.memory_space<vmem>>, vector<1x16xf32>,
        %parallel_loop3A_238 = arith.index_cast %parallel_loop3A_201 : i32 to index
        %parallel_loop3A_239 = arith.constant 64 : index
        %parallel_loop3A_240 = tpu.vector_load %arg10[%parallel_loop3A_238, %parallel_loop3A_239] {strides = array<i32>} : memref<80x128xf32, #tpu.memory_space<vmem>>, vector<1x16xf32>,
        %parallel_loop3A_241 = vector.shape_cast %parallel_loop3A_240 : vector<1x16xf32> to vector<16xf32>
        %parallel_loop3A_242 = arith.index_cast %parallel_loop3A_201 : i32 to index
        %parallel_loop3A_243 = arith.constant 64 : index
        %parallel_loop3A_244 = tpu.vector_load %arg9[%parallel_loop3A_242, %parallel_loop3A_243] {strides = array<i32>} : memref<80x128xf32, #tpu.memory_space<vmem>>, vector<1x16xf32>,
        %parallel_loop3A_245 = vector.shape_cast %parallel_loop3A_244 : vector<1x16xf32> to vector<16xf32>
        %parallel_loop3A_246 = vector.shape_cast %parallel_loop3A_241 : vector<16xf32> to vector<1x16xf32>
        tpu.vector_store %arg9[%parallel_loop3A_242, %parallel_loop3A_243], %parallel_loop3A_246 {add = true, strides = array<i32>} : memref<80x128xf32, #tpu.memory_space<vmem>>, vector<1x16xf32>,
        %parallel_loop3A_247 = arith.index_cast %parallel_loop3A_201 : i32 to index
        %parallel_loop3A_248 = arith.constant 80 : index
        %parallel_loop3A_249 = tpu.vector_load %arg10[%parallel_loop3A_247, %parallel_loop3A_248] {strides = array<i32>} : memref<80x128xf32, #tpu.memory_space<vmem>>, vector<1x16xf32>,
        %parallel_loop3A_250 = vector.shape_cast %parallel_loop3A_249 : vector<1x16xf32> to vector<16xf32>
        %parallel_loop3A_251 = arith.index_cast %parallel_loop3A_201 : i32 to index
        %parallel_loop3A_252 = arith.constant 80 : index
        %parallel_loop3A_253 = tpu.vector_load %arg9[%parallel_loop3A_251, %parallel_loop3A_252] {strides = array<i32>} : memref<80x128xf32, #tpu.memory_space<vmem>>, vector<1x16xf32>,
        %parallel_loop3A_254 = vector.shape_cast %parallel_loop3A_253 : vector<1x16xf32> to vector<16xf32>
        %parallel_loop3A_255 = vector.shape_cast %parallel_loop3A_250 : vector<16xf32> to vector<1x16xf32>
        tpu.vector_store %arg9[%parallel_loop3A_251, %parallel_loop3A_252], %parallel_loop3A_255 {add = true, strides = array<i32>} : memref<80x128xf32, #tpu.memory_space<vmem>>, vector<1x16xf32>,
        %parallel_loop3A_256 = arith.index_cast %parallel_loop3A_201 : i32 to index
        %parallel_loop3A_257 = arith.constant 96 : index
        %parallel_loop3A_258 = tpu.vector_load %arg10[%parallel_loop3A_256, %parallel_loop3A_257] {strides = array<i32>} : memref<80x128xf32, #tpu.memory_space<vmem>>, vector<1x16xf32>,
        %parallel_loop3A_259 = vector.shape_cast %parallel_loop3A_258 : vector<1x16xf32> to vector<16xf32>
        %parallel_loop3A_260 = arith.index_cast %parallel_loop3A_201 : i32 to index
        %parallel_loop3A_261 = arith.constant 96 : index
        %parallel_loop3A_262 = tpu.vector_load %arg9[%parallel_loop3A_260, %parallel_loop3A_261] {strides = array<i32>} : memref<80x128xf32, #tpu.memory_space<vmem>>, vector<1x16xf32>,
        %parallel_loop3A_263 = vector.shape_cast %parallel_loop3A_262 : vector<1x16xf32> to vector<16xf32>
        %parallel_loop3A_264 = vector.shape_cast %parallel_loop3A_259 : vector<16xf32> to vector<1x16xf32>
        tpu.vector_store %arg9[%parallel_loop3A_260, %parallel_loop3A_261], %parallel_loop3A_264 {add = true, strides = array<i32>} : memref<80x128xf32, #tpu.memory_space<vmem>>, vector<1x16xf32>,
        %parallel_loop3A_265 = arith.index_cast %parallel_loop3A_201 : i32 to index
        %parallel_loop3A_266 = arith.constant 112 : index
        %parallel_loop3A_267 = tpu.vector_load %arg10[%parallel_loop3A_265, %parallel_loop3A_266] {strides = array<i32>} : memref<80x128xf32, #tpu.memory_space<vmem>>, vector<1x16xf32>,
        %parallel_loop3A_268 = vector.shape_cast %parallel_loop3A_267 : vector<1x16xf32> to vector<16xf32>
        %parallel_loop3A_269 = arith.index_cast %parallel_loop3A_201 : i32 to index
        %parallel_loop3A_270 = arith.constant 112 : index
        %parallel_loop3A_271 = tpu.vector_load %arg9[%parallel_loop3A_269, %parallel_loop3A_270] {strides = array<i32>} : memref<80x128xf32, #tpu.memory_space<vmem>>, vector<1x16xf32>,
        %parallel_loop3A_272 = vector.shape_cast %parallel_loop3A_271 : vector<1x16xf32> to vector<16xf32>
        %parallel_loop3A_273 = vector.shape_cast %parallel_loop3A_268 : vector<16xf32> to vector<1x16xf32>
        tpu.vector_store %arg9[%parallel_loop3A_269, %parallel_loop3A_270], %parallel_loop3A_273 {add = true, strides = array<i32>} : memref<80x128xf32, #tpu.memory_space<vmem>>, vector<1x16xf32>,
      } {sc.loop_unroll_factor = 8 : i64, sc.parallel_access}
      %add3A_102 = arith.addi %mul3A_2, %multiple_of3A_90 : i32
      %dma_start3A_103 = arith.constant 0 : i32
      %dma_start3A_104 = tpu.memref_slice %arg6[%add3A_102, %dma_start3A_103] : memref<320000x128xf32, #tpu.memory_space<hbm>> -> memref<80x128xf32, #tpu.memory_space<hbm>>
      %dma_start3A_105 = arith.constant 0 : i32
      %dma_start3A_106 = tpu.memref_slice %arg6[%add3A_102, %dma_start3A_105] : memref<320000x128xf32, #tpu.memory_space<hbm>> -> memref<80x128xf32, #tpu.memory_space<hbm>>
      tpu.enqueue_dma source(%arg9 : memref<80x128xf32, #tpu.memory_space<vmem>>) target(%dma_start3A_106 : memref<80x128xf32, #tpu.memory_space<hbm>>) target_semaphore(%arg21 : memref<!tpu.dma_semaphore, #tpu.memory_space<semaphore_mem>>)
      %gt3A = arith.constant 0 : i32
      %gt3A_107 = arith.cmpi sgt, %add3A_87, %gt3A : i32
      %convert_element_type3A = arith.extui %gt3A_107 : i1 to i32
      %cond3A = arith.constant 0 : i32
      %cond3A_108 = arith.cmpi ne, %convert_element_type3A, %cond3A : i32
      scf.if %cond3A_108 {
        %sub3A = arith.constant 1 : i32
        %sub3A_201 = arith.subi %add3A_87, %sub3A : i32
        %mul3A_202 = arith.constant 80 : i32
        %mul3A_203 = arith.muli %sub3A_201, %mul3A_202 : i32
        %multiple_of3A_204 = tpu.assume_multiple %mul3A_203, 80 : i32
        %add3A_205 = arith.addi %mul3A_2, %multiple_of3A_204 : i32
        %dma_wait3A_206 = arith.constant 0 : i32
        %dma_wait3A_207 = tpu.memref_slice %arg6[%add3A_205, %dma_wait3A_206] : memref<320000x128xf32, #tpu.memory_space<hbm>> -> memref<80x128xf32, #tpu.memory_space<hbm>>
        %dma_wait3A_208 = arith.constant 0 : i32
        %dma_wait3A_209 = tpu.memref_slice %arg6[%add3A_205, %dma_wait3A_208] : memref<320000x128xf32, #tpu.memory_space<hbm>> -> memref<80x128xf32, #tpu.memory_space<hbm>>
        tpu.wait_dma2 semaphore(%arg23 : memref<!tpu.dma_semaphore, #tpu.memory_space<semaphore_mem>>) src(%arg13 : memref<80x128xf32, #tpu.memory_space<vmem>>) dst(%dma_wait3A_209 : memref<80x128xf32, #tpu.memory_space<hbm>>)
      } else {
      }
      %add3A_109 = arith.constant 2 : i32
      %add3A_110 = arith.addi %add3A_87, %add3A_109 : i32
      %mul3A_111 = arith.constant 80 : i32
      %mul3A_112 = arith.muli %add3A_110, %mul3A_111 : i32
      %multiple_of3A_113 = tpu.assume_multiple %mul3A_112, 80 : i32
      %dma_start3A_114 = tpu.memref_slice %arg7[%multiple_of3A_113] : memref<10000xi32, #tpu.memory_space<vmem>> -> memref<80xi32, #tpu.memory_space<vmem>>
      %dma_start3A_115 = arith.constant 0 : i32
      %dma_start3A_116 = arith.constant 0 : i32
      %dma_start3A_117 = tpu.memref_slice %arg2[%dma_start3A_115, %dma_start3A_116] : memref<10000x128xf32, #tpu.memory_space<hbm>> -> memref<10000x128xf32, #tpu.memory_space<hbm>>
      tpu.enqueue_indirect_dma source(%dma_start3A_117 : memref<10000x128xf32, #tpu.memory_space<hbm>>) target(%arg13 : memref<80x128xf32, #tpu.memory_space<vmem>>) offsets(%dma_start3A_114 : memref<80xi32, #tpu.memory_space<vmem>>) semaphore(%arg19 : memref<!tpu.dma_semaphore, #tpu.memory_space<semaphore_mem>>)
      %dma_start3A_118 = tpu.memref_slice %arg8[%multiple_of3A_113] : memref<10000xi32, #tpu.memory_space<vmem>> -> memref<80xi32, #tpu.memory_space<vmem>>
      %dma_start3A_119 = arith.constant 0 : i32
      %dma_start3A_120 = arith.constant 0 : i32
      %dma_start3A_121 = tpu.memref_slice %arg3[%dma_start3A_119, %dma_start3A_120] : memref<10000x128xf32, #tpu.memory_space<hbm>> -> memref<10000x128xf32, #tpu.memory_space<hbm>>
      tpu.enqueue_indirect_dma source(%dma_start3A_121 : memref<10000x128xf32, #tpu.memory_space<hbm>>) target(%arg14 : memref<80x128xf32, #tpu.memory_space<vmem>>) offsets(%dma_start3A_118 : memref<80xi32, #tpu.memory_space<vmem>>) semaphore(%arg20 : memref<!tpu.dma_semaphore, #tpu.memory_space<semaphore_mem>>)
      %add3A_122 = arith.constant 1 : i32
      %add3A_123 = arith.addi %mul3A_85, %add3A_122 : i32
      %mul3A_124 = arith.constant 80 : i32
      %mul3A_125 = arith.muli %add3A_123, %mul3A_124 : i32
      %multiple_of3A_126 = tpu.assume_multiple %mul3A_125, 80 : i32
      %dma_wait3A_127 = tpu.memref_slice %arg7[%multiple_of3A_126] : memref<10000xi32, #tpu.memory_space<vmem>> -> memref<80xi32, #tpu.memory_space<vmem>>
      %dma_wait3A_128 = arith.constant 0 : i32
      %dma_wait3A_129 = arith.constant 0 : i32
      %dma_wait3A_130 = tpu.memref_slice %arg2[%dma_wait3A_128, %dma_wait3A_129] : memref<10000x128xf32, #tpu.memory_space<hbm>> -> memref<10000x128xf32, #tpu.memory_space<hbm>>
      tpu.wait_indirect_dma semaphore(%arg17 : memref<!tpu.dma_semaphore, #tpu.memory_space<semaphore_mem>>) src(%dma_wait3A_130 : memref<10000x128xf32, #tpu.memory_space<hbm>>) dst(%arg11 : memref<80x128xf32, #tpu.memory_space<vmem>>)
      %dma_wait3A_131 = tpu.memref_slice %arg8[%multiple_of3A_126] : memref<10000xi32, #tpu.memory_space<vmem>> -> memref<80xi32, #tpu.memory_space<vmem>>
      %dma_wait3A_132 = arith.constant 0 : i32
      %dma_wait3A_133 = arith.constant 0 : i32
      %dma_wait3A_134 = tpu.memref_slice %arg3[%dma_wait3A_132, %dma_wait3A_133] : memref<10000x128xf32, #tpu.memory_space<hbm>> -> memref<10000x128xf32, #tpu.memory_space<hbm>>
      tpu.wait_indirect_dma semaphore(%arg18 : memref<!tpu.dma_semaphore, #tpu.memory_space<semaphore_mem>>) src(%dma_wait3A_134 : memref<10000x128xf32, #tpu.memory_space<hbm>>) dst(%arg12 : memref<80x128xf32, #tpu.memory_space<vmem>>)
      %parallel_loop3A_135 = arith.constant 0 : i32
      %parallel_loop3A_136 = arith.constant 80 : i32
      %parallel_loop3A_137 = arith.constant 1 : i32
      scf.for %parallel_loop3A_201 = %parallel_loop3A_135 to %parallel_loop3A_136 step %parallel_loop3A_137  : i32 {
        %parallel_loop3A_202 = arith.index_cast %parallel_loop3A_201 : i32 to index
        %parallel_loop3A_203 = arith.constant 0 : index
        %parallel_loop3A_204 = tpu.vector_load %arg12[%parallel_loop3A_202, %parallel_loop3A_203] {strides = array<i32>} : memref<80x128xf32, #tpu.memory_space<vmem>>, vector<1x16xf32>,
        %parallel_loop3A_205 = vector.shape_cast %parallel_loop3A_204 : vector<1x16xf32> to vector<16xf32>
        %parallel_loop3A_206 = arith.index_cast %parallel_loop3A_201 : i32 to index
        %parallel_loop3A_207 = arith.constant 0 : index
        %parallel_loop3A_208 = tpu.vector_load %arg11[%parallel_loop3A_206, %parallel_loop3A_207] {strides = array<i32>} : memref<80x128xf32, #tpu.memory_space<vmem>>, vector<1x16xf32>,
        %parallel_loop3A_209 = vector.shape_cast %parallel_loop3A_208 : vector<1x16xf32> to vector<16xf32>
        %parallel_loop3A_210 = vector.shape_cast %parallel_loop3A_205 : vector<16xf32> to vector<1x16xf32>
        tpu.vector_store %arg11[%parallel_loop3A_206, %parallel_loop3A_207], %parallel_loop3A_210 {add = true, strides = array<i32>} : memref<80x128xf32, #tpu.memory_space<vmem>>, vector<1x16xf32>,
        %parallel_loop3A_211 = arith.index_cast %parallel_loop3A_201 : i32 to index
        %parallel_loop3A_212 = arith.constant 16 : index
        %parallel_loop3A_213 = tpu.vector_load %arg12[%parallel_loop3A_211, %parallel_loop3A_212] {strides = array<i32>} : memref<80x128xf32, #tpu.memory_space<vmem>>, vector<1x16xf32>,
        %parallel_loop3A_214 = vector.shape_cast %parallel_loop3A_213 : vector<1x16xf32> to vector<16xf32>
        %parallel_loop3A_215 = arith.index_cast %parallel_loop3A_201 : i32 to index
        %parallel_loop3A_216 = arith.constant 16 : index
        %parallel_loop3A_217 = tpu.vector_load %arg11[%parallel_loop3A_215, %parallel_loop3A_216] {strides = array<i32>} : memref<80x128xf32, #tpu.memory_space<vmem>>, vector<1x16xf32>,
        %parallel_loop3A_218 = vector.shape_cast %parallel_loop3A_217 : vector<1x16xf32> to vector<16xf32>
        %parallel_loop3A_219 = vector.shape_cast %parallel_loop3A_214 : vector<16xf32> to vector<1x16xf32>
        tpu.vector_store %arg11[%parallel_loop3A_215, %parallel_loop3A_216], %parallel_loop3A_219 {add = true, strides = array<i32>} : memref<80x128xf32, #tpu.memory_space<vmem>>, vector<1x16xf32>,
        %parallel_loop3A_220 = arith.index_cast %parallel_loop3A_201 : i32 to index
        %parallel_loop3A_221 = arith.constant 32 : index
        %parallel_loop3A_222 = tpu.vector_load %arg12[%parallel_loop3A_220, %parallel_loop3A_221] {strides = array<i32>} : memref<80x128xf32, #tpu.memory_space<vmem>>, vector<1x16xf32>,
        %parallel_loop3A_223 = vector.shape_cast %parallel_loop3A_222 : vector<1x16xf32> to vector<16xf32>
        %parallel_loop3A_224 = arith.index_cast %parallel_loop3A_201 : i32 to index
        %parallel_loop3A_225 = arith.constant 32 : index
        %parallel_loop3A_226 = tpu.vector_load %arg11[%parallel_loop3A_224, %parallel_loop3A_225] {strides = array<i32>} : memref<80x128xf32, #tpu.memory_space<vmem>>, vector<1x16xf32>,
        %parallel_loop3A_227 = vector.shape_cast %parallel_loop3A_226 : vector<1x16xf32> to vector<16xf32>
        %parallel_loop3A_228 = vector.shape_cast %parallel_loop3A_223 : vector<16xf32> to vector<1x16xf32>
        tpu.vector_store %arg11[%parallel_loop3A_224, %parallel_loop3A_225], %parallel_loop3A_228 {add = true, strides = array<i32>} : memref<80x128xf32, #tpu.memory_space<vmem>>, vector<1x16xf32>,
        %parallel_loop3A_229 = arith.index_cast %parallel_loop3A_201 : i32 to index
        %parallel_loop3A_230 = arith.constant 48 : index
        %parallel_loop3A_231 = tpu.vector_load %arg12[%parallel_loop3A_229, %parallel_loop3A_230] {strides = array<i32>} : memref<80x128xf32, #tpu.memory_space<vmem>>, vector<1x16xf32>,
        %parallel_loop3A_232 = vector.shape_cast %parallel_loop3A_231 : vector<1x16xf32> to vector<16xf32>
        %parallel_loop3A_233 = arith.index_cast %parallel_loop3A_201 : i32 to index
        %parallel_loop3A_234 = arith.constant 48 : index
        %parallel_loop3A_235 = tpu.vector_load %arg11[%parallel_loop3A_233, %parallel_loop3A_234] {strides = array<i32>} : memref<80x128xf32, #tpu.memory_space<vmem>>, vector<1x16xf32>,
        %parallel_loop3A_236 = vector.shape_cast %parallel_loop3A_235 : vector<1x16xf32> to vector<16xf32>
        %parallel_loop3A_237 = vector.shape_cast %parallel_loop3A_232 : vector<16xf32> to vector<1x16xf32>
        tpu.vector_store %arg11[%parallel_loop3A_233, %parallel_loop3A_234], %parallel_loop3A_237 {add = true, strides = array<i32>} : memref<80x128xf32, #tpu.memory_space<vmem>>, vector<1x16xf32>,
        %parallel_loop3A_238 = arith.index_cast %parallel_loop3A_201 : i32 to index
        %parallel_loop3A_239 = arith.constant 64 : index
        %parallel_loop3A_240 = tpu.vector_load %arg12[%parallel_loop3A_238, %parallel_loop3A_239] {strides = array<i32>} : memref<80x128xf32, #tpu.memory_space<vmem>>, vector<1x16xf32>,
        %parallel_loop3A_241 = vector.shape_cast %parallel_loop3A_240 : vector<1x16xf32> to vector<16xf32>
        %parallel_loop3A_242 = arith.index_cast %parallel_loop3A_201 : i32 to index
        %parallel_loop3A_243 = arith.constant 64 : index
        %parallel_loop3A_244 = tpu.vector_load %arg11[%parallel_loop3A_242, %parallel_loop3A_243] {strides = array<i32>} : memref<80x128xf32, #tpu.memory_space<vmem>>, vector<1x16xf32>,
        %parallel_loop3A_245 = vector.shape_cast %parallel_loop3A_244 : vector<1x16xf32> to vector<16xf32>
        %parallel_loop3A_246 = vector.shape_cast %parallel_loop3A_241 : vector<16xf32> to vector<1x16xf32>
        tpu.vector_store %arg11[%parallel_loop3A_242, %parallel_loop3A_243], %parallel_loop3A_246 {add = true, strides = array<i32>} : memref<80x128xf32, #tpu.memory_space<vmem>>, vector<1x16xf32>,
        %parallel_loop3A_247 = arith.index_cast %parallel_loop3A_201 : i32 to index
        %parallel_loop3A_248 = arith.constant 80 : index
        %parallel_loop3A_249 = tpu.vector_load %arg12[%parallel_loop3A_247, %parallel_loop3A_248] {strides = array<i32>} : memref<80x128xf32, #tpu.memory_space<vmem>>, vector<1x16xf32>,
        %parallel_loop3A_250 = vector.shape_cast %parallel_loop3A_249 : vector<1x16xf32> to vector<16xf32>
        %parallel_loop3A_251 = arith.index_cast %parallel_loop3A_201 : i32 to index
        %parallel_loop3A_252 = arith.constant 80 : index
        %parallel_loop3A_253 = tpu.vector_load %arg11[%parallel_loop3A_251, %parallel_loop3A_252] {strides = array<i32>} : memref<80x128xf32, #tpu.memory_space<vmem>>, vector<1x16xf32>,
        %parallel_loop3A_254 = vector.shape_cast %parallel_loop3A_253 : vector<1x16xf32> to vector<16xf32>
        %parallel_loop3A_255 = vector.shape_cast %parallel_loop3A_250 : vector<16xf32> to vector<1x16xf32>
        tpu.vector_store %arg11[%parallel_loop3A_251, %parallel_loop3A_252], %parallel_loop3A_255 {add = true, strides = array<i32>} : memref<80x128xf32, #tpu.memory_space<vmem>>, vector<1x16xf32>,
        %parallel_loop3A_256 = arith.index_cast %parallel_loop3A_201 : i32 to index
        %parallel_loop3A_257 = arith.constant 96 : index
        %parallel_loop3A_258 = tpu.vector_load %arg12[%parallel_loop3A_256, %parallel_loop3A_257] {strides = array<i32>} : memref<80x128xf32, #tpu.memory_space<vmem>>, vector<1x16xf32>,
        %parallel_loop3A_259 = vector.shape_cast %parallel_loop3A_258 : vector<1x16xf32> to vector<16xf32>
        %parallel_loop3A_260 = arith.index_cast %parallel_loop3A_201 : i32 to index
        %parallel_loop3A_261 = arith.constant 96 : index
        %parallel_loop3A_262 = tpu.vector_load %arg11[%parallel_loop3A_260, %parallel_loop3A_261] {strides = array<i32>} : memref<80x128xf32, #tpu.memory_space<vmem>>, vector<1x16xf32>,
        %parallel_loop3A_263 = vector.shape_cast %parallel_loop3A_262 : vector<1x16xf32> to vector<16xf32>
        %parallel_loop3A_264 = vector.shape_cast %parallel_loop3A_259 : vector<16xf32> to vector<1x16xf32>
        tpu.vector_store %arg11[%parallel_loop3A_260, %parallel_loop3A_261], %parallel_loop3A_264 {add = true, strides = array<i32>} : memref<80x128xf32, #tpu.memory_space<vmem>>, vector<1x16xf32>,
        %parallel_loop3A_265 = arith.index_cast %parallel_loop3A_201 : i32 to index
        %parallel_loop3A_266 = arith.constant 112 : index
        %parallel_loop3A_267 = tpu.vector_load %arg12[%parallel_loop3A_265, %parallel_loop3A_266] {strides = array<i32>} : memref<80x128xf32, #tpu.memory_space<vmem>>, vector<1x16xf32>,
        %parallel_loop3A_268 = vector.shape_cast %parallel_loop3A_267 : vector<1x16xf32> to vector<16xf32>
        %parallel_loop3A_269 = arith.index_cast %parallel_loop3A_201 : i32 to index
        %parallel_loop3A_270 = arith.constant 112 : index
        %parallel_loop3A_271 = tpu.vector_load %arg11[%parallel_loop3A_269, %parallel_loop3A_270] {strides = array<i32>} : memref<80x128xf32, #tpu.memory_space<vmem>>, vector<1x16xf32>,
        %parallel_loop3A_272 = vector.shape_cast %parallel_loop3A_271 : vector<1x16xf32> to vector<16xf32>
        %parallel_loop3A_273 = vector.shape_cast %parallel_loop3A_268 : vector<16xf32> to vector<1x16xf32>
        tpu.vector_store %arg11[%parallel_loop3A_269, %parallel_loop3A_270], %parallel_loop3A_273 {add = true, strides = array<i32>} : memref<80x128xf32, #tpu.memory_space<vmem>>, vector<1x16xf32>,
      } {sc.loop_unroll_factor = 8 : i64, sc.parallel_access}
      %add3A_138 = arith.addi %mul3A_2, %multiple_of3A_126 : i32
      %dma_start3A_139 = arith.constant 0 : i32
      %dma_start3A_140 = tpu.memref_slice %arg6[%add3A_138, %dma_start3A_139] : memref<320000x128xf32, #tpu.memory_space<hbm>> -> memref<80x128xf32, #tpu.memory_space<hbm>>
      %dma_start3A_141 = arith.constant 0 : i32
      %dma_start3A_142 = tpu.memref_slice %arg6[%add3A_138, %dma_start3A_141] : memref<320000x128xf32, #tpu.memory_space<hbm>> -> memref<80x128xf32, #tpu.memory_space<hbm>>
      tpu.enqueue_dma source(%arg11 : memref<80x128xf32, #tpu.memory_space<vmem>>) target(%dma_start3A_142 : memref<80x128xf32, #tpu.memory_space<hbm>>) target_semaphore(%arg22 : memref<!tpu.dma_semaphore, #tpu.memory_space<semaphore_mem>>)
      %gt3A_143 = arith.constant 0 : i32
      %gt3A_144 = arith.cmpi sgt, %add3A_123, %gt3A_143 : i32
      %convert_element_type3A_145 = arith.extui %gt3A_144 : i1 to i32
      %cond3A_146 = arith.constant 0 : i32
      %cond3A_147 = arith.cmpi ne, %convert_element_type3A_145, %cond3A_146 : i32
      scf.if %cond3A_147 {
        %sub3A = arith.constant 1 : i32
        %sub3A_201 = arith.subi %add3A_123, %sub3A : i32
        %mul3A_202 = arith.constant 80 : i32
        %mul3A_203 = arith.muli %sub3A_201, %mul3A_202 : i32
        %multiple_of3A_204 = tpu.assume_multiple %mul3A_203, 80 : i32
        %add3A_205 = arith.addi %mul3A_2, %multiple_of3A_204 : i32
        %dma_wait3A_206 = arith.constant 0 : i32
        %dma_wait3A_207 = tpu.memref_slice %arg6[%add3A_205, %dma_wait3A_206] : memref<320000x128xf32, #tpu.memory_space<hbm>> -> memref<80x128xf32, #tpu.memory_space<hbm>>
        %dma_wait3A_208 = arith.constant 0 : i32
        %dma_wait3A_209 = tpu.memref_slice %arg6[%add3A_205, %dma_wait3A_208] : memref<320000x128xf32, #tpu.memory_space<hbm>> -> memref<80x128xf32, #tpu.memory_space<hbm>>
        tpu.wait_dma2 semaphore(%arg21 : memref<!tpu.dma_semaphore, #tpu.memory_space<semaphore_mem>>) src(%arg9 : memref<80x128xf32, #tpu.memory_space<vmem>>) dst(%dma_wait3A_209 : memref<80x128xf32, #tpu.memory_space<hbm>>)
      } else {
      }
      %add3A_148 = arith.constant 2 : i32
      %add3A_149 = arith.addi %add3A_123, %add3A_148 : i32
      %mul3A_150 = arith.constant 80 : i32
      %mul3A_151 = arith.muli %add3A_149, %mul3A_150 : i32
      %multiple_of3A_152 = tpu.assume_multiple %mul3A_151, 80 : i32
      %dma_start3A_153 = tpu.memref_slice %arg7[%multiple_of3A_152] : memref<10000xi32, #tpu.memory_space<vmem>> -> memref<80xi32, #tpu.memory_space<vmem>>
      %dma_start3A_154 = arith.constant 0 : i32
      %dma_start3A_155 = arith.constant 0 : i32
      %dma_start3A_156 = tpu.memref_slice %arg2[%dma_start3A_154, %dma_start3A_155] : memref<10000x128xf32, #tpu.memory_space<hbm>> -> memref<10000x128xf32, #tpu.memory_space<hbm>>
      tpu.enqueue_indirect_dma source(%dma_start3A_156 : memref<10000x128xf32, #tpu.memory_space<hbm>>) target(%arg9 : memref<80x128xf32, #tpu.memory_space<vmem>>) offsets(%dma_start3A_153 : memref<80xi32, #tpu.memory_space<vmem>>) semaphore(%arg15 : memref<!tpu.dma_semaphore, #tpu.memory_space<semaphore_mem>>)
      %dma_start3A_157 = tpu.memref_slice %arg8[%multiple_of3A_152] : memref<10000xi32, #tpu.memory_space<vmem>> -> memref<80xi32, #tpu.memory_space<vmem>>
      %dma_start3A_158 = arith.constant 0 : i32
      %dma_start3A_159 = arith.constant 0 : i32
      %dma_start3A_160 = tpu.memref_slice %arg3[%dma_start3A_158, %dma_start3A_159] : memref<10000x128xf32, #tpu.memory_space<hbm>> -> memref<10000x128xf32, #tpu.memory_space<hbm>>
      tpu.enqueue_indirect_dma source(%dma_start3A_160 : memref<10000x128xf32, #tpu.memory_space<hbm>>) target(%arg10 : memref<80x128xf32, #tpu.memory_space<vmem>>) offsets(%dma_start3A_157 : memref<80xi32, #tpu.memory_space<vmem>>) semaphore(%arg16 : memref<!tpu.dma_semaphore, #tpu.memory_space<semaphore_mem>>)
      %add3A_161 = arith.constant 2 : i32
      %add3A_162 = arith.addi %mul3A_85, %add3A_161 : i32
      %mul3A_163 = arith.constant 80 : i32
      %mul3A_164 = arith.muli %add3A_162, %mul3A_163 : i32
      %multiple_of3A_165 = tpu.assume_multiple %mul3A_164, 80 : i32
      %dma_wait3A_166 = tpu.memref_slice %arg7[%multiple_of3A_165] : memref<10000xi32, #tpu.memory_space<vmem>> -> memref<80xi32, #tpu.memory_space<vmem>>
      %dma_wait3A_167 = arith.constant 0 : i32
      %dma_wait3A_168 = arith.constant 0 : i32
      %dma_wait3A_169 = tpu.memref_slice %arg2[%dma_wait3A_167, %dma_wait3A_168] : memref<10000x128xf32, #tpu.memory_space<hbm>> -> memref<10000x128xf32, #tpu.memory_space<hbm>>
      tpu.wait_indirect_dma semaphore(%arg19 : memref<!tpu.dma_semaphore, #tpu.memory_space<semaphore_mem>>) src(%dma_wait3A_169 : memref<10000x128xf32, #tpu.memory_space<hbm>>) dst(%arg13 : memref<80x128xf32, #tpu.memory_space<vmem>>)
      %dma_wait3A_170 = tpu.memref_slice %arg8[%multiple_of3A_165] : memref<10000xi32, #tpu.memory_space<vmem>> -> memref<80xi32, #tpu.memory_space<vmem>>
      %dma_wait3A_171 = arith.constant 0 : i32
      %dma_wait3A_172 = arith.constant 0 : i32
      %dma_wait3A_173 = tpu.memref_slice %arg3[%dma_wait3A_171, %dma_wait3A_172] : memref<10000x128xf32, #tpu.memory_space<hbm>> -> memref<10000x128xf32, #tpu.memory_space<hbm>>
      tpu.wait_indirect_dma semaphore(%arg20 : memref<!tpu.dma_semaphore, #tpu.memory_space<semaphore_mem>>) src(%dma_wait3A_173 : memref<10000x128xf32, #tpu.memory_space<hbm>>) dst(%arg14 : memref<80x128xf32, #tpu.memory_space<vmem>>)
      %parallel_loop3A_174 = arith.constant 0 : i32
      %parallel_loop3A_175 = arith.constant 80 : i32
      %parallel_loop3A_176 = arith.constant 1 : i32
      scf.for %parallel_loop3A_201 = %parallel_loop3A_174 to %parallel_loop3A_175 step %parallel_loop3A_176  : i32 {
        %parallel_loop3A_202 = arith.index_cast %parallel_loop3A_201 : i32 to index
        %parallel_loop3A_203 = arith.constant 0 : index
        %parallel_loop3A_204 = tpu.vector_load %arg14[%parallel_loop3A_202, %parallel_loop3A_203] {strides = array<i32>} : memref<80x128xf32, #tpu.memory_space<vmem>>, vector<1x16xf32>,
        %parallel_loop3A_205 = vector.shape_cast %parallel_loop3A_204 : vector<1x16xf32> to vector<16xf32>
        %parallel_loop3A_206 = arith.index_cast %parallel_loop3A_201 : i32 to index
        %parallel_loop3A_207 = arith.constant 0 : index
        %parallel_loop3A_208 = tpu.vector_load %arg13[%parallel_loop3A_206, %parallel_loop3A_207] {strides = array<i32>} : memref<80x128xf32, #tpu.memory_space<vmem>>, vector<1x16xf32>,
        %parallel_loop3A_209 = vector.shape_cast %parallel_loop3A_208 : vector<1x16xf32> to vector<16xf32>
        %parallel_loop3A_210 = vector.shape_cast %parallel_loop3A_205 : vector<16xf32> to vector<1x16xf32>
        tpu.vector_store %arg13[%parallel_loop3A_206, %parallel_loop3A_207], %parallel_loop3A_210 {add = true, strides = array<i32>} : memref<80x128xf32, #tpu.memory_space<vmem>>, vector<1x16xf32>,
        %parallel_loop3A_211 = arith.index_cast %parallel_loop3A_201 : i32 to index
        %parallel_loop3A_212 = arith.constant 16 : index
        %parallel_loop3A_213 = tpu.vector_load %arg14[%parallel_loop3A_211, %parallel_loop3A_212] {strides = array<i32>} : memref<80x128xf32, #tpu.memory_space<vmem>>, vector<1x16xf32>,
        %parallel_loop3A_214 = vector.shape_cast %parallel_loop3A_213 : vector<1x16xf32> to vector<16xf32>
        %parallel_loop3A_215 = arith.index_cast %parallel_loop3A_201 : i32 to index
        %parallel_loop3A_216 = arith.constant 16 : index
        %parallel_loop3A_217 = tpu.vector_load %arg13[%parallel_loop3A_215, %parallel_loop3A_216] {strides = array<i32>} : memref<80x128xf32, #tpu.memory_space<vmem>>, vector<1x16xf32>,
        %parallel_loop3A_218 = vector.shape_cast %parallel_loop3A_217 : vector<1x16xf32> to vector<16xf32>
        %parallel_loop3A_219 = vector.shape_cast %parallel_loop3A_214 : vector<16xf32> to vector<1x16xf32>
        tpu.vector_store %arg13[%parallel_loop3A_215, %parallel_loop3A_216], %parallel_loop3A_219 {add = true, strides = array<i32>} : memref<80x128xf32, #tpu.memory_space<vmem>>, vector<1x16xf32>,
        %parallel_loop3A_220 = arith.index_cast %parallel_loop3A_201 : i32 to index
        %parallel_loop3A_221 = arith.constant 32 : index
        %parallel_loop3A_222 = tpu.vector_load %arg14[%parallel_loop3A_220, %parallel_loop3A_221] {strides = array<i32>} : memref<80x128xf32, #tpu.memory_space<vmem>>, vector<1x16xf32>,
        %parallel_loop3A_223 = vector.shape_cast %parallel_loop3A_222 : vector<1x16xf32> to vector<16xf32>
        %parallel_loop3A_224 = arith.index_cast %parallel_loop3A_201 : i32 to index
        %parallel_loop3A_225 = arith.constant 32 : index
        %parallel_loop3A_226 = tpu.vector_load %arg13[%parallel_loop3A_224, %parallel_loop3A_225] {strides = array<i32>} : memref<80x128xf32, #tpu.memory_space<vmem>>, vector<1x16xf32>,
        %parallel_loop3A_227 = vector.shape_cast %parallel_loop3A_226 : vector<1x16xf32> to vector<16xf32>
        %parallel_loop3A_228 = vector.shape_cast %parallel_loop3A_223 : vector<16xf32> to vector<1x16xf32>
        tpu.vector_store %arg13[%parallel_loop3A_224, %parallel_loop3A_225], %parallel_loop3A_228 {add = true, strides = array<i32>} : memref<80x128xf32, #tpu.memory_space<vmem>>, vector<1x16xf32>,
        %parallel_loop3A_229 = arith.index_cast %parallel_loop3A_201 : i32 to index
        %parallel_loop3A_230 = arith.constant 48 : index
        %parallel_loop3A_231 = tpu.vector_load %arg14[%parallel_loop3A_229, %parallel_loop3A_230] {strides = array<i32>} : memref<80x128xf32, #tpu.memory_space<vmem>>, vector<1x16xf32>,
        %parallel_loop3A_232 = vector.shape_cast %parallel_loop3A_231 : vector<1x16xf32> to vector<16xf32>
        %parallel_loop3A_233 = arith.index_cast %parallel_loop3A_201 : i32 to index
        %parallel_loop3A_234 = arith.constant 48 : index
        %parallel_loop3A_235 = tpu.vector_load %arg13[%parallel_loop3A_233, %parallel_loop3A_234] {strides = array<i32>} : memref<80x128xf32, #tpu.memory_space<vmem>>, vector<1x16xf32>,
        %parallel_loop3A_236 = vector.shape_cast %parallel_loop3A_235 : vector<1x16xf32> to vector<16xf32>
        %parallel_loop3A_237 = vector.shape_cast %parallel_loop3A_232 : vector<16xf32> to vector<1x16xf32>
        tpu.vector_store %arg13[%parallel_loop3A_233, %parallel_loop3A_234], %parallel_loop3A_237 {add = true, strides = array<i32>} : memref<80x128xf32, #tpu.memory_space<vmem>>, vector<1x16xf32>,
        %parallel_loop3A_238 = arith.index_cast %parallel_loop3A_201 : i32 to index
        %parallel_loop3A_239 = arith.constant 64 : index
        %parallel_loop3A_240 = tpu.vector_load %arg14[%parallel_loop3A_238, %parallel_loop3A_239] {strides = array<i32>} : memref<80x128xf32, #tpu.memory_space<vmem>>, vector<1x16xf32>,
        %parallel_loop3A_241 = vector.shape_cast %parallel_loop3A_240 : vector<1x16xf32> to vector<16xf32>
        %parallel_loop3A_242 = arith.index_cast %parallel_loop3A_201 : i32 to index
        %parallel_loop3A_243 = arith.constant 64 : index
        %parallel_loop3A_244 = tpu.vector_load %arg13[%parallel_loop3A_242, %parallel_loop3A_243] {strides = array<i32>} : memref<80x128xf32, #tpu.memory_space<vmem>>, vector<1x16xf32>,
        %parallel_loop3A_245 = vector.shape_cast %parallel_loop3A_244 : vector<1x16xf32> to vector<16xf32>
        %parallel_loop3A_246 = vector.shape_cast %parallel_loop3A_241 : vector<16xf32> to vector<1x16xf32>
        tpu.vector_store %arg13[%parallel_loop3A_242, %parallel_loop3A_243], %parallel_loop3A_246 {add = true, strides = array<i32>} : memref<80x128xf32, #tpu.memory_space<vmem>>, vector<1x16xf32>,
        %parallel_loop3A_247 = arith.index_cast %parallel_loop3A_201 : i32 to index
        %parallel_loop3A_248 = arith.constant 80 : index
        %parallel_loop3A_249 = tpu.vector_load %arg14[%parallel_loop3A_247, %parallel_loop3A_248] {strides = array<i32>} : memref<80x128xf32, #tpu.memory_space<vmem>>, vector<1x16xf32>,
        %parallel_loop3A_250 = vector.shape_cast %parallel_loop3A_249 : vector<1x16xf32> to vector<16xf32>
        %parallel_loop3A_251 = arith.index_cast %parallel_loop3A_201 : i32 to index
        %parallel_loop3A_252 = arith.constant 80 : index
        %parallel_loop3A_253 = tpu.vector_load %arg13[%parallel_loop3A_251, %parallel_loop3A_252] {strides = array<i32>} : memref<80x128xf32, #tpu.memory_space<vmem>>, vector<1x16xf32>,
        %parallel_loop3A_254 = vector.shape_cast %parallel_loop3A_253 : vector<1x16xf32> to vector<16xf32>
        %parallel_loop3A_255 = vector.shape_cast %parallel_loop3A_250 : vector<16xf32> to vector<1x16xf32>
        tpu.vector_store %arg13[%parallel_loop3A_251, %parallel_loop3A_252], %parallel_loop3A_255 {add = true, strides = array<i32>} : memref<80x128xf32, #tpu.memory_space<vmem>>, vector<1x16xf32>,
        %parallel_loop3A_256 = arith.index_cast %parallel_loop3A_201 : i32 to index
        %parallel_loop3A_257 = arith.constant 96 : index
        %parallel_loop3A_258 = tpu.vector_load %arg14[%parallel_loop3A_256, %parallel_loop3A_257] {strides = array<i32>} : memref<80x128xf32, #tpu.memory_space<vmem>>, vector<1x16xf32>,
        %parallel_loop3A_259 = vector.shape_cast %parallel_loop3A_258 : vector<1x16xf32> to vector<16xf32>
        %parallel_loop3A_260 = arith.index_cast %parallel_loop3A_201 : i32 to index
        %parallel_loop3A_261 = arith.constant 96 : index
        %parallel_loop3A_262 = tpu.vector_load %arg13[%parallel_loop3A_260, %parallel_loop3A_261] {strides = array<i32>} : memref<80x128xf32, #tpu.memory_space<vmem>>, vector<1x16xf32>,
        %parallel_loop3A_263 = vector.shape_cast %parallel_loop3A_262 : vector<1x16xf32> to vector<16xf32>
        %parallel_loop3A_264 = vector.shape_cast %parallel_loop3A_259 : vector<16xf32> to vector<1x16xf32>
        tpu.vector_store %arg13[%parallel_loop3A_260, %parallel_loop3A_261], %parallel_loop3A_264 {add = true, strides = array<i32>} : memref<80x128xf32, #tpu.memory_space<vmem>>, vector<1x16xf32>,
        %parallel_loop3A_265 = arith.index_cast %parallel_loop3A_201 : i32 to index
        %parallel_loop3A_266 = arith.constant 112 : index
        %parallel_loop3A_267 = tpu.vector_load %arg14[%parallel_loop3A_265, %parallel_loop3A_266] {strides = array<i32>} : memref<80x128xf32, #tpu.memory_space<vmem>>, vector<1x16xf32>,
        %parallel_loop3A_268 = vector.shape_cast %parallel_loop3A_267 : vector<1x16xf32> to vector<16xf32>
        %parallel_loop3A_269 = arith.index_cast %parallel_loop3A_201 : i32 to index
        %parallel_loop3A_270 = arith.constant 112 : index
        %parallel_loop3A_271 = tpu.vector_load %arg13[%parallel_loop3A_269, %parallel_loop3A_270] {strides = array<i32>} : memref<80x128xf32, #tpu.memory_space<vmem>>, vector<1x16xf32>,
        %parallel_loop3A_272 = vector.shape_cast %parallel_loop3A_271 : vector<1x16xf32> to vector<16xf32>
        %parallel_loop3A_273 = vector.shape_cast %parallel_loop3A_268 : vector<16xf32> to vector<1x16xf32>
        tpu.vector_store %arg13[%parallel_loop3A_269, %parallel_loop3A_270], %parallel_loop3A_273 {add = true, strides = array<i32>} : memref<80x128xf32, #tpu.memory_space<vmem>>, vector<1x16xf32>,
      } {sc.loop_unroll_factor = 8 : i64, sc.parallel_access}
      %add3A_177 = arith.addi %mul3A_2, %multiple_of3A_165 : i32
      %dma_start3A_178 = arith.constant 0 : i32
      %dma_start3A_179 = tpu.memref_slice %arg6[%add3A_177, %dma_start3A_178] : memref<320000x128xf32, #tpu.memory_space<hbm>> -> memref<80x128xf32, #tpu.memory_space<hbm>>
      %dma_start3A_180 = arith.constant 0 : i32
      %dma_start3A_181 = tpu.memref_slice %arg6[%add3A_177, %dma_start3A_180] : memref<320000x128xf32, #tpu.memory_space<hbm>> -> memref<80x128xf32, #tpu.memory_space<hbm>>
      tpu.enqueue_dma source(%arg13 : memref<80x128xf32, #tpu.memory_space<vmem>>) target(%dma_start3A_181 : memref<80x128xf32, #tpu.memory_space<hbm>>) target_semaphore(%arg23 : memref<!tpu.dma_semaphore, #tpu.memory_space<semaphore_mem>>)
      %gt3A_182 = arith.constant 0 : i32
      %gt3A_183 = arith.cmpi sgt, %add3A_162, %gt3A_182 : i32
      %convert_element_type3A_184 = arith.extui %gt3A_183 : i1 to i32
      %cond3A_185 = arith.constant 0 : i32
      %cond3A_186 = arith.cmpi ne, %convert_element_type3A_184, %cond3A_185 : i32
      scf.if %cond3A_186 {
        %sub3A = arith.constant 1 : i32
        %sub3A_201 = arith.subi %add3A_162, %sub3A : i32
        %mul3A_202 = arith.constant 80 : i32
        %mul3A_203 = arith.muli %sub3A_201, %mul3A_202 : i32
        %multiple_of3A_204 = tpu.assume_multiple %mul3A_203, 80 : i32
        %add3A_205 = arith.addi %mul3A_2, %multiple_of3A_204 : i32
        %dma_wait3A_206 = arith.constant 0 : i32
        %dma_wait3A_207 = tpu.memref_slice %arg6[%add3A_205, %dma_wait3A_206] : memref<320000x128xf32, #tpu.memory_space<hbm>> -> memref<80x128xf32, #tpu.memory_space<hbm>>
        %dma_wait3A_208 = arith.constant 0 : i32
        %dma_wait3A_209 = tpu.memref_slice %arg6[%add3A_205, %dma_wait3A_208] : memref<320000x128xf32, #tpu.memory_space<hbm>> -> memref<80x128xf32, #tpu.memory_space<hbm>>
        tpu.wait_dma2 semaphore(%arg22 : memref<!tpu.dma_semaphore, #tpu.memory_space<semaphore_mem>>) src(%arg11 : memref<80x128xf32, #tpu.memory_space<vmem>>) dst(%dma_wait3A_209 : memref<80x128xf32, #tpu.memory_space<hbm>>)
      } else {
      }
      %add3A_187 = arith.constant 2 : i32
      %add3A_188 = arith.addi %add3A_162, %add3A_187 : i32
      %mul3A_189 = arith.constant 80 : i32
      %mul3A_190 = arith.muli %add3A_188, %mul3A_189 : i32
      %multiple_of3A_191 = tpu.assume_multiple %mul3A_190, 80 : i32
      %dma_start3A_192 = tpu.memref_slice %arg7[%multiple_of3A_191] : memref<10000xi32, #tpu.memory_space<vmem>> -> memref<80xi32, #tpu.memory_space<vmem>>
      %dma_start3A_193 = arith.constant 0 : i32
      %dma_start3A_194 = arith.constant 0 : i32
      %dma_start3A_195 = tpu.memref_slice %arg2[%dma_start3A_193, %dma_start3A_194] : memref<10000x128xf32, #tpu.memory_space<hbm>> -> memref<10000x128xf32, #tpu.memory_space<hbm>>
      tpu.enqueue_indirect_dma source(%dma_start3A_195 : memref<10000x128xf32, #tpu.memory_space<hbm>>) target(%arg11 : memref<80x128xf32, #tpu.memory_space<vmem>>) offsets(%dma_start3A_192 : memref<80xi32, #tpu.memory_space<vmem>>) semaphore(%arg17 : memref<!tpu.dma_semaphore, #tpu.memory_space<semaphore_mem>>)
      %dma_start3A_196 = tpu.memref_slice %arg8[%multiple_of3A_191] : memref<10000xi32, #tpu.memory_space<vmem>> -> memref<80xi32, #tpu.memory_space<vmem>>
      %dma_start3A_197 = arith.constant 0 : i32
      %dma_start3A_198 = arith.constant 0 : i32
      %dma_start3A_199 = tpu.memref_slice %arg3[%dma_start3A_197, %dma_start3A_198] : memref<10000x128xf32, #tpu.memory_space<hbm>> -> memref<10000x128xf32, #tpu.memory_space<hbm>>
      tpu.enqueue_indirect_dma source(%dma_start3A_199 : memref<10000x128xf32, #tpu.memory_space<hbm>>) target(%arg12 : memref<80x128xf32, #tpu.memory_space<vmem>>) offsets(%dma_start3A_196 : memref<80xi32, #tpu.memory_space<vmem>>) semaphore(%arg18 : memref<!tpu.dma_semaphore, #tpu.memory_space<semaphore_mem>>)
      %scan3A_200 = arith.constant 0 : i32
      scf.yield %scan3A_200 : i32
    }
    %scan3A_26 = arith.constant 41 : i32
    %multiple_of3A_27 = arith.constant 9840 : i32
    %multiple_of3A_28 = tpu.assume_multiple %multiple_of3A_27, 80 : i32
    %dma_wait3A = tpu.memref_slice %arg7[%multiple_of3A_28] : memref<10000xi32, #tpu.memory_space<vmem>> -> memref<80xi32, #tpu.memory_space<vmem>>
    %dma_wait3A_29 = arith.constant 0 : i32
    %dma_wait3A_30 = arith.constant 0 : i32
    %dma_wait3A_31 = tpu.memref_slice %arg2[%dma_wait3A_29, %dma_wait3A_30] : memref<10000x128xf32, #tpu.memory_space<hbm>> -> memref<10000x128xf32, #tpu.memory_space<hbm>>
    tpu.wait_indirect_dma semaphore(%arg15 : memref<!tpu.dma_semaphore, #tpu.memory_space<semaphore_mem>>) src(%dma_wait3A_31 : memref<10000x128xf32, #tpu.memory_space<hbm>>) dst(%arg9 : memref<80x128xf32, #tpu.memory_space<vmem>>)
    %dma_wait3A_32 = tpu.memref_slice %arg8[%multiple_of3A_28] : memref<10000xi32, #tpu.memory_space<vmem>> -> memref<80xi32, #tpu.memory_space<vmem>>
    %dma_wait3A_33 = arith.constant 0 : i32
    %dma_wait3A_34 = arith.constant 0 : i32
    %dma_wait3A_35 = tpu.memref_slice %arg3[%dma_wait3A_33, %dma_wait3A_34] : memref<10000x128xf32, #tpu.memory_space<hbm>> -> memref<10000x128xf32, #tpu.memory_space<hbm>>
    tpu.wait_indirect_dma semaphore(%arg16 : memref<!tpu.dma_semaphore, #tpu.memory_space<semaphore_mem>>) src(%dma_wait3A_35 : memref<10000x128xf32, #tpu.memory_space<hbm>>) dst(%arg10 : memref<80x128xf32, #tpu.memory_space<vmem>>)
    %parallel_loop3A = arith.constant 0 : i32
    %parallel_loop3A_36 = arith.constant 80 : i32
    %parallel_loop3A_37 = arith.constant 1 : i32
    scf.for %parallel_loop3A_82 = %parallel_loop3A to %parallel_loop3A_36 step %parallel_loop3A_37  : i32 {
      %parallel_loop3A_83 = arith.index_cast %parallel_loop3A_82 : i32 to index
      %parallel_loop3A_84 = arith.constant 0 : index
      %parallel_loop3A_85 = tpu.vector_load %arg10[%parallel_loop3A_83, %parallel_loop3A_84] {strides = array<i32>} : memref<80x128xf32, #tpu.memory_space<vmem>>, vector<1x16xf32>,
      %parallel_loop3A_86 = vector.shape_cast %parallel_loop3A_85 : vector<1x16xf32> to vector<16xf32>
      %parallel_loop3A_87 = arith.index_cast %parallel_loop3A_82 : i32 to index
      %parallel_loop3A_88 = arith.constant 0 : index
      %parallel_loop3A_89 = tpu.vector_load %arg9[%parallel_loop3A_87, %parallel_loop3A_88] {strides = array<i32>} : memref<80x128xf32, #tpu.memory_space<vmem>>, vector<1x16xf32>,
      %parallel_loop3A_90 = vector.shape_cast %parallel_loop3A_89 : vector<1x16xf32> to vector<16xf32>
      %parallel_loop3A_91 = vector.shape_cast %parallel_loop3A_86 : vector<16xf32> to vector<1x16xf32>
      tpu.vector_store %arg9[%parallel_loop3A_87, %parallel_loop3A_88], %parallel_loop3A_91 {add = true, strides = array<i32>} : memref<80x128xf32, #tpu.memory_space<vmem>>, vector<1x16xf32>,
      %parallel_loop3A_92 = arith.index_cast %parallel_loop3A_82 : i32 to index
      %parallel_loop3A_93 = arith.constant 16 : index
      %parallel_loop3A_94 = tpu.vector_load %arg10[%parallel_loop3A_92, %parallel_loop3A_93] {strides = array<i32>} : memref<80x128xf32, #tpu.memory_space<vmem>>, vector<1x16xf32>,
      %parallel_loop3A_95 = vector.shape_cast %parallel_loop3A_94 : vector<1x16xf32> to vector<16xf32>
      %parallel_loop3A_96 = arith.index_cast %parallel_loop3A_82 : i32 to index
      %parallel_loop3A_97 = arith.constant 16 : index
      %parallel_loop3A_98 = tpu.vector_load %arg9[%parallel_loop3A_96, %parallel_loop3A_97] {strides = array<i32>} : memref<80x128xf32, #tpu.memory_space<vmem>>, vector<1x16xf32>,
      %parallel_loop3A_99 = vector.shape_cast %parallel_loop3A_98 : vector<1x16xf32> to vector<16xf32>
      %parallel_loop3A_100 = vector.shape_cast %parallel_loop3A_95 : vector<16xf32> to vector<1x16xf32>
      tpu.vector_store %arg9[%parallel_loop3A_96, %parallel_loop3A_97], %parallel_loop3A_100 {add = true, strides = array<i32>} : memref<80x128xf32, #tpu.memory_space<vmem>>, vector<1x16xf32>,
      %parallel_loop3A_101 = arith.index_cast %parallel_loop3A_82 : i32 to index
      %parallel_loop3A_102 = arith.constant 32 : index
      %parallel_loop3A_103 = tpu.vector_load %arg10[%parallel_loop3A_101, %parallel_loop3A_102] {strides = array<i32>} : memref<80x128xf32, #tpu.memory_space<vmem>>, vector<1x16xf32>,
      %parallel_loop3A_104 = vector.shape_cast %parallel_loop3A_103 : vector<1x16xf32> to vector<16xf32>
      %parallel_loop3A_105 = arith.index_cast %parallel_loop3A_82 : i32 to index
      %parallel_loop3A_106 = arith.constant 32 : index
      %parallel_loop3A_107 = tpu.vector_load %arg9[%parallel_loop3A_105, %parallel_loop3A_106] {strides = array<i32>} : memref<80x128xf32, #tpu.memory_space<vmem>>, vector<1x16xf32>,
      %parallel_loop3A_108 = vector.shape_cast %parallel_loop3A_107 : vector<1x16xf32> to vector<16xf32>
      %parallel_loop3A_109 = vector.shape_cast %parallel_loop3A_104 : vector<16xf32> to vector<1x16xf32>
      tpu.vector_store %arg9[%parallel_loop3A_105, %parallel_loop3A_106], %parallel_loop3A_109 {add = true, strides = array<i32>} : memref<80x128xf32, #tpu.memory_space<vmem>>, vector<1x16xf32>,
      %parallel_loop3A_110 = arith.index_cast %parallel_loop3A_82 : i32 to index
      %parallel_loop3A_111 = arith.constant 48 : index
      %parallel_loop3A_112 = tpu.vector_load %arg10[%parallel_loop3A_110, %parallel_loop3A_111] {strides = array<i32>} : memref<80x128xf32, #tpu.memory_space<vmem>>, vector<1x16xf32>,
      %parallel_loop3A_113 = vector.shape_cast %parallel_loop3A_112 : vector<1x16xf32> to vector<16xf32>
      %parallel_loop3A_114 = arith.index_cast %parallel_loop3A_82 : i32 to index
      %parallel_loop3A_115 = arith.constant 48 : index
      %parallel_loop3A_116 = tpu.vector_load %arg9[%parallel_loop3A_114, %parallel_loop3A_115] {strides = array<i32>} : memref<80x128xf32, #tpu.memory_space<vmem>>, vector<1x16xf32>,
      %parallel_loop3A_117 = vector.shape_cast %parallel_loop3A_116 : vector<1x16xf32> to vector<16xf32>
      %parallel_loop3A_118 = vector.shape_cast %parallel_loop3A_113 : vector<16xf32> to vector<1x16xf32>
      tpu.vector_store %arg9[%parallel_loop3A_114, %parallel_loop3A_115], %parallel_loop3A_118 {add = true, strides = array<i32>} : memref<80x128xf32, #tpu.memory_space<vmem>>, vector<1x16xf32>,
      %parallel_loop3A_119 = arith.index_cast %parallel_loop3A_82 : i32 to index
      %parallel_loop3A_120 = arith.constant 64 : index
      %parallel_loop3A_121 = tpu.vector_load %arg10[%parallel_loop3A_119, %parallel_loop3A_120] {strides = array<i32>} : memref<80x128xf32, #tpu.memory_space<vmem>>, vector<1x16xf32>,
      %parallel_loop3A_122 = vector.shape_cast %parallel_loop3A_121 : vector<1x16xf32> to vector<16xf32>
      %parallel_loop3A_123 = arith.index_cast %parallel_loop3A_82 : i32 to index
      %parallel_loop3A_124 = arith.constant 64 : index
      %parallel_loop3A_125 = tpu.vector_load %arg9[%parallel_loop3A_123, %parallel_loop3A_124] {strides = array<i32>} : memref<80x128xf32, #tpu.memory_space<vmem>>, vector<1x16xf32>,
      %parallel_loop3A_126 = vector.shape_cast %parallel_loop3A_125 : vector<1x16xf32> to vector<16xf32>
      %parallel_loop3A_127 = vector.shape_cast %parallel_loop3A_122 : vector<16xf32> to vector<1x16xf32>
      tpu.vector_store %arg9[%parallel_loop3A_123, %parallel_loop3A_124], %parallel_loop3A_127 {add = true, strides = array<i32>} : memref<80x128xf32, #tpu.memory_space<vmem>>, vector<1x16xf32>,
      %parallel_loop3A_128 = arith.index_cast %parallel_loop3A_82 : i32 to index
      %parallel_loop3A_129 = arith.constant 80 : index
      %parallel_loop3A_130 = tpu.vector_load %arg10[%parallel_loop3A_128, %parallel_loop3A_129] {strides = array<i32>} : memref<80x128xf32, #tpu.memory_space<vmem>>, vector<1x16xf32>,
      %parallel_loop3A_131 = vector.shape_cast %parallel_loop3A_130 : vector<1x16xf32> to vector<16xf32>
      %parallel_loop3A_132 = arith.index_cast %parallel_loop3A_82 : i32 to index
      %parallel_loop3A_133 = arith.constant 80 : index
      %parallel_loop3A_134 = tpu.vector_load %arg9[%parallel_loop3A_132, %parallel_loop3A_133] {strides = array<i32>} : memref<80x128xf32, #tpu.memory_space<vmem>>, vector<1x16xf32>,
      %parallel_loop3A_135 = vector.shape_cast %parallel_loop3A_134 : vector<1x16xf32> to vector<16xf32>
      %parallel_loop3A_136 = vector.shape_cast %parallel_loop3A_131 : vector<16xf32> to vector<1x16xf32>
      tpu.vector_store %arg9[%parallel_loop3A_132, %parallel_loop3A_133], %parallel_loop3A_136 {add = true, strides = array<i32>} : memref<80x128xf32, #tpu.memory_space<vmem>>, vector<1x16xf32>,
      %parallel_loop3A_137 = arith.index_cast %parallel_loop3A_82 : i32 to index
      %parallel_loop3A_138 = arith.constant 96 : index
      %parallel_loop3A_139 = tpu.vector_load %arg10[%parallel_loop3A_137, %parallel_loop3A_138] {strides = array<i32>} : memref<80x128xf32, #tpu.memory_space<vmem>>, vector<1x16xf32>,
      %parallel_loop3A_140 = vector.shape_cast %parallel_loop3A_139 : vector<1x16xf32> to vector<16xf32>
      %parallel_loop3A_141 = arith.index_cast %parallel_loop3A_82 : i32 to index
      %parallel_loop3A_142 = arith.constant 96 : index
      %parallel_loop3A_143 = tpu.vector_load %arg9[%parallel_loop3A_141, %parallel_loop3A_142] {strides = array<i32>} : memref<80x128xf32, #tpu.memory_space<vmem>>, vector<1x16xf32>,
      %parallel_loop3A_144 = vector.shape_cast %parallel_loop3A_143 : vector<1x16xf32> to vector<16xf32>
      %parallel_loop3A_145 = vector.shape_cast %parallel_loop3A_140 : vector<16xf32> to vector<1x16xf32>
      tpu.vector_store %arg9[%parallel_loop3A_141, %parallel_loop3A_142], %parallel_loop3A_145 {add = true, strides = array<i32>} : memref<80x128xf32, #tpu.memory_space<vmem>>, vector<1x16xf32>,
      %parallel_loop3A_146 = arith.index_cast %parallel_loop3A_82 : i32 to index
      %parallel_loop3A_147 = arith.constant 112 : index
      %parallel_loop3A_148 = tpu.vector_load %arg10[%parallel_loop3A_146, %parallel_loop3A_147] {strides = array<i32>} : memref<80x128xf32, #tpu.memory_space<vmem>>, vector<1x16xf32>,
      %parallel_loop3A_149 = vector.shape_cast %parallel_loop3A_148 : vector<1x16xf32> to vector<16xf32>
      %parallel_loop3A_150 = arith.index_cast %parallel_loop3A_82 : i32 to index
      %parallel_loop3A_151 = arith.constant 112 : index
      %parallel_loop3A_152 = tpu.vector_load %arg9[%parallel_loop3A_150, %parallel_loop3A_151] {strides = array<i32>} : memref<80x128xf32, #tpu.memory_space<vmem>>, vector<1x16xf32>,
      %parallel_loop3A_153 = vector.shape_cast %parallel_loop3A_152 : vector<1x16xf32> to vector<16xf32>
      %parallel_loop3A_154 = vector.shape_cast %parallel_loop3A_149 : vector<16xf32> to vector<1x16xf32>
      tpu.vector_store %arg9[%parallel_loop3A_150, %parallel_loop3A_151], %parallel_loop3A_154 {add = true, strides = array<i32>} : memref<80x128xf32, #tpu.memory_space<vmem>>, vector<1x16xf32>,
    } {sc.loop_unroll_factor = 8 : i64, sc.parallel_access}
    %add3A_38 = arith.addi %mul3A_2, %multiple_of3A_28 : i32
    %dma_start3A_39 = arith.constant 0 : i32
    %dma_start3A_40 = tpu.memref_slice %arg6[%add3A_38, %dma_start3A_39] : memref<320000x128xf32, #tpu.memory_space<hbm>> -> memref<80x128xf32, #tpu.memory_space<hbm>>
    %dma_start3A_41 = arith.constant 0 : i32
    %dma_start3A_42 = tpu.memref_slice %arg6[%add3A_38, %dma_start3A_41] : memref<320000x128xf32, #tpu.memory_space<hbm>> -> memref<80x128xf32, #tpu.memory_space<hbm>>
    tpu.enqueue_dma source(%arg9 : memref<80x128xf32, #tpu.memory_space<vmem>>) target(%dma_start3A_42 : memref<80x128xf32, #tpu.memory_space<hbm>>) target_semaphore(%arg21 : memref<!tpu.dma_semaphore, #tpu.memory_space<semaphore_mem>>)
    %multiple_of3A_43 = arith.constant 9760 : i32
    %multiple_of3A_44 = tpu.assume_multiple %multiple_of3A_43, 80 : i32
    %add3A_45 = arith.addi %mul3A_2, %multiple_of3A_44 : i32
    %dma_wait3A_46 = arith.constant 0 : i32
    %dma_wait3A_47 = tpu.memref_slice %arg6[%add3A_45, %dma_wait3A_46] : memref<320000x128xf32, #tpu.memory_space<hbm>> -> memref<80x128xf32, #tpu.memory_space<hbm>>
    %dma_wait3A_48 = arith.constant 0 : i32
    %dma_wait3A_49 = tpu.memref_slice %arg6[%add3A_45, %dma_wait3A_48] : memref<320000x128xf32, #tpu.memory_space<hbm>> -> memref<80x128xf32, #tpu.memory_space<hbm>>
    tpu.wait_dma2 semaphore(%arg23 : memref<!tpu.dma_semaphore, #tpu.memory_space<semaphore_mem>>) src(%arg13 : memref<80x128xf32, #tpu.memory_space<vmem>>) dst(%dma_wait3A_49 : memref<80x128xf32, #tpu.memory_space<hbm>>)
    %multiple_of3A_50 = arith.constant 9920 : i32
    %multiple_of3A_51 = tpu.assume_multiple %multiple_of3A_50, 80 : i32
    %dma_wait3A_52 = tpu.memref_slice %arg7[%multiple_of3A_51] : memref<10000xi32, #tpu.memory_space<vmem>> -> memref<80xi32, #tpu.memory_space<vmem>>
    %dma_wait3A_53 = arith.constant 0 : i32
    %dma_wait3A_54 = arith.constant 0 : i32
    %dma_wait3A_55 = tpu.memref_slice %arg2[%dma_wait3A_53, %dma_wait3A_54] : memref<10000x128xf32, #tpu.memory_space<hbm>> -> memref<10000x128xf32, #tpu.memory_space<hbm>>
    tpu.wait_indirect_dma semaphore(%arg17 : memref<!tpu.dma_semaphore, #tpu.memory_space<semaphore_mem>>) src(%dma_wait3A_55 : memref<10000x128xf32, #tpu.memory_space<hbm>>) dst(%arg11 : memref<80x128xf32, #tpu.memory_space<vmem>>)
    %dma_wait3A_56 = tpu.memref_slice %arg8[%multiple_of3A_51] : memref<10000xi32, #tpu.memory_space<vmem>> -> memref<80xi32, #tpu.memory_space<vmem>>
    %dma_wait3A_57 = arith.constant 0 : i32
    %dma_wait3A_58 = arith.constant 0 : i32
    %dma_wait3A_59 = tpu.memref_slice %arg3[%dma_wait3A_57, %dma_wait3A_58] : memref<10000x128xf32, #tpu.memory_space<hbm>> -> memref<10000x128xf32, #tpu.memory_space<hbm>>
    tpu.wait_indirect_dma semaphore(%arg18 : memref<!tpu.dma_semaphore, #tpu.memory_space<semaphore_mem>>) src(%dma_wait3A_59 : memref<10000x128xf32, #tpu.memory_space<hbm>>) dst(%arg12 : memref<80x128xf32, #tpu.memory_space<vmem>>)
    %parallel_loop3A_60 = arith.constant 0 : i32
    %parallel_loop3A_61 = arith.constant 80 : i32
    %parallel_loop3A_62 = arith.constant 1 : i32
    scf.for %parallel_loop3A_82 = %parallel_loop3A_60 to %parallel_loop3A_61 step %parallel_loop3A_62  : i32 {
      %parallel_loop3A_83 = arith.index_cast %parallel_loop3A_82 : i32 to index
      %parallel_loop3A_84 = arith.constant 0 : index
      %parallel_loop3A_85 = tpu.vector_load %arg12[%parallel_loop3A_83, %parallel_loop3A_84] {strides = array<i32>} : memref<80x128xf32, #tpu.memory_space<vmem>>, vector<1x16xf32>,
      %parallel_loop3A_86 = vector.shape_cast %parallel_loop3A_85 : vector<1x16xf32> to vector<16xf32>
      %parallel_loop3A_87 = arith.index_cast %parallel_loop3A_82 : i32 to index
      %parallel_loop3A_88 = arith.constant 0 : index
      %parallel_loop3A_89 = tpu.vector_load %arg11[%parallel_loop3A_87, %parallel_loop3A_88] {strides = array<i32>} : memref<80x128xf32, #tpu.memory_space<vmem>>, vector<1x16xf32>,
      %parallel_loop3A_90 = vector.shape_cast %parallel_loop3A_89 : vector<1x16xf32> to vector<16xf32>
      %parallel_loop3A_91 = vector.shape_cast %parallel_loop3A_86 : vector<16xf32> to vector<1x16xf32>
      tpu.vector_store %arg11[%parallel_loop3A_87, %parallel_loop3A_88], %parallel_loop3A_91 {add = true, strides = array<i32>} : memref<80x128xf32, #tpu.memory_space<vmem>>, vector<1x16xf32>,
      %parallel_loop3A_92 = arith.index_cast %parallel_loop3A_82 : i32 to index
      %parallel_loop3A_93 = arith.constant 16 : index
      %parallel_loop3A_94 = tpu.vector_load %arg12[%parallel_loop3A_92, %parallel_loop3A_93] {strides = array<i32>} : memref<80x128xf32, #tpu.memory_space<vmem>>, vector<1x16xf32>,
      %parallel_loop3A_95 = vector.shape_cast %parallel_loop3A_94 : vector<1x16xf32> to vector<16xf32>
      %parallel_loop3A_96 = arith.index_cast %parallel_loop3A_82 : i32 to index
      %parallel_loop3A_97 = arith.constant 16 : index
      %parallel_loop3A_98 = tpu.vector_load %arg11[%parallel_loop3A_96, %parallel_loop3A_97] {strides = array<i32>} : memref<80x128xf32, #tpu.memory_space<vmem>>, vector<1x16xf32>,
      %parallel_loop3A_99 = vector.shape_cast %parallel_loop3A_98 : vector<1x16xf32> to vector<16xf32>
      %parallel_loop3A_100 = vector.shape_cast %parallel_loop3A_95 : vector<16xf32> to vector<1x16xf32>
      tpu.vector_store %arg11[%parallel_loop3A_96, %parallel_loop3A_97], %parallel_loop3A_100 {add = true, strides = array<i32>} : memref<80x128xf32, #tpu.memory_space<vmem>>, vector<1x16xf32>,
      %parallel_loop3A_101 = arith.index_cast %parallel_loop3A_82 : i32 to index
      %parallel_loop3A_102 = arith.constant 32 : index
      %parallel_loop3A_103 = tpu.vector_load %arg12[%parallel_loop3A_101, %parallel_loop3A_102] {strides = array<i32>} : memref<80x128xf32, #tpu.memory_space<vmem>>, vector<1x16xf32>,
      %parallel_loop3A_104 = vector.shape_cast %parallel_loop3A_103 : vector<1x16xf32> to vector<16xf32>
      %parallel_loop3A_105 = arith.index_cast %parallel_loop3A_82 : i32 to index
      %parallel_loop3A_106 = arith.constant 32 : index
      %parallel_loop3A_107 = tpu.vector_load %arg11[%parallel_loop3A_105, %parallel_loop3A_106] {strides = array<i32>} : memref<80x128xf32, #tpu.memory_space<vmem>>, vector<1x16xf32>,
      %parallel_loop3A_108 = vector.shape_cast %parallel_loop3A_107 : vector<1x16xf32> to vector<16xf32>
      %parallel_loop3A_109 = vector.shape_cast %parallel_loop3A_104 : vector<16xf32> to vector<1x16xf32>
      tpu.vector_store %arg11[%parallel_loop3A_105, %parallel_loop3A_106], %parallel_loop3A_109 {add = true, strides = array<i32>} : memref<80x128xf32, #tpu.memory_space<vmem>>, vector<1x16xf32>,
      %parallel_loop3A_110 = arith.index_cast %parallel_loop3A_82 : i32 to index
      %parallel_loop3A_111 = arith.constant 48 : index
      %parallel_loop3A_112 = tpu.vector_load %arg12[%parallel_loop3A_110, %parallel_loop3A_111] {strides = array<i32>} : memref<80x128xf32, #tpu.memory_space<vmem>>, vector<1x16xf32>,
      %parallel_loop3A_113 = vector.shape_cast %parallel_loop3A_112 : vector<1x16xf32> to vector<16xf32>
      %parallel_loop3A_114 = arith.index_cast %parallel_loop3A_82 : i32 to index
      %parallel_loop3A_115 = arith.constant 48 : index
      %parallel_loop3A_116 = tpu.vector_load %arg11[%parallel_loop3A_114, %parallel_loop3A_115] {strides = array<i32>} : memref<80x128xf32, #tpu.memory_space<vmem>>, vector<1x16xf32>,
      %parallel_loop3A_117 = vector.shape_cast %parallel_loop3A_116 : vector<1x16xf32> to vector<16xf32>
      %parallel_loop3A_118 = vector.shape_cast %parallel_loop3A_113 : vector<16xf32> to vector<1x16xf32>
      tpu.vector_store %arg11[%parallel_loop3A_114, %parallel_loop3A_115], %parallel_loop3A_118 {add = true, strides = array<i32>} : memref<80x128xf32, #tpu.memory_space<vmem>>, vector<1x16xf32>,
      %parallel_loop3A_119 = arith.index_cast %parallel_loop3A_82 : i32 to index
      %parallel_loop3A_120 = arith.constant 64 : index
      %parallel_loop3A_121 = tpu.vector_load %arg12[%parallel_loop3A_119, %parallel_loop3A_120] {strides = array<i32>} : memref<80x128xf32, #tpu.memory_space<vmem>>, vector<1x16xf32>,
      %parallel_loop3A_122 = vector.shape_cast %parallel_loop3A_121 : vector<1x16xf32> to vector<16xf32>
      %parallel_loop3A_123 = arith.index_cast %parallel_loop3A_82 : i32 to index
      %parallel_loop3A_124 = arith.constant 64 : index
      %parallel_loop3A_125 = tpu.vector_load %arg11[%parallel_loop3A_123, %parallel_loop3A_124] {strides = array<i32>} : memref<80x128xf32, #tpu.memory_space<vmem>>, vector<1x16xf32>,
      %parallel_loop3A_126 = vector.shape_cast %parallel_loop3A_125 : vector<1x16xf32> to vector<16xf32>
      %parallel_loop3A_127 = vector.shape_cast %parallel_loop3A_122 : vector<16xf32> to vector<1x16xf32>
      tpu.vector_store %arg11[%parallel_loop3A_123, %parallel_loop3A_124], %parallel_loop3A_127 {add = true, strides = array<i32>} : memref<80x128xf32, #tpu.memory_space<vmem>>, vector<1x16xf32>,
      %parallel_loop3A_128 = arith.index_cast %parallel_loop3A_82 : i32 to index
      %parallel_loop3A_129 = arith.constant 80 : index
      %parallel_loop3A_130 = tpu.vector_load %arg12[%parallel_loop3A_128, %parallel_loop3A_129] {strides = array<i32>} : memref<80x128xf32, #tpu.memory_space<vmem>>, vector<1x16xf32>,
      %parallel_loop3A_131 = vector.shape_cast %parallel_loop3A_130 : vector<1x16xf32> to vector<16xf32>
      %parallel_loop3A_132 = arith.index_cast %parallel_loop3A_82 : i32 to index
      %parallel_loop3A_133 = arith.constant 80 : index
      %parallel_loop3A_134 = tpu.vector_load %arg11[%parallel_loop3A_132, %parallel_loop3A_133] {strides = array<i32>} : memref<80x128xf32, #tpu.memory_space<vmem>>, vector<1x16xf32>,
      %parallel_loop3A_135 = vector.shape_cast %parallel_loop3A_134 : vector<1x16xf32> to vector<16xf32>
      %parallel_loop3A_136 = vector.shape_cast %parallel_loop3A_131 : vector<16xf32> to vector<1x16xf32>
      tpu.vector_store %arg11[%parallel_loop3A_132, %parallel_loop3A_133], %parallel_loop3A_136 {add = true, strides = array<i32>} : memref<80x128xf32, #tpu.memory_space<vmem>>, vector<1x16xf32>,
      %parallel_loop3A_137 = arith.index_cast %parallel_loop3A_82 : i32 to index
      %parallel_loop3A_138 = arith.constant 96 : index
      %parallel_loop3A_139 = tpu.vector_load %arg12[%parallel_loop3A_137, %parallel_loop3A_138] {strides = array<i32>} : memref<80x128xf32, #tpu.memory_space<vmem>>, vector<1x16xf32>,
      %parallel_loop3A_140 = vector.shape_cast %parallel_loop3A_139 : vector<1x16xf32> to vector<16xf32>
      %parallel_loop3A_141 = arith.index_cast %parallel_loop3A_82 : i32 to index
      %parallel_loop3A_142 = arith.constant 96 : index
      %parallel_loop3A_143 = tpu.vector_load %arg11[%parallel_loop3A_141, %parallel_loop3A_142] {strides = array<i32>} : memref<80x128xf32, #tpu.memory_space<vmem>>, vector<1x16xf32>,
      %parallel_loop3A_144 = vector.shape_cast %parallel_loop3A_143 : vector<1x16xf32> to vector<16xf32>
      %parallel_loop3A_145 = vector.shape_cast %parallel_loop3A_140 : vector<16xf32> to vector<1x16xf32>
      tpu.vector_store %arg11[%parallel_loop3A_141, %parallel_loop3A_142], %parallel_loop3A_145 {add = true, strides = array<i32>} : memref<80x128xf32, #tpu.memory_space<vmem>>, vector<1x16xf32>,
      %parallel_loop3A_146 = arith.index_cast %parallel_loop3A_82 : i32 to index
      %parallel_loop3A_147 = arith.constant 112 : index
      %parallel_loop3A_148 = tpu.vector_load %arg12[%parallel_loop3A_146, %parallel_loop3A_147] {strides = array<i32>} : memref<80x128xf32, #tpu.memory_space<vmem>>, vector<1x16xf32>,
      %parallel_loop3A_149 = vector.shape_cast %parallel_loop3A_148 : vector<1x16xf32> to vector<16xf32>
      %parallel_loop3A_150 = arith.index_cast %parallel_loop3A_82 : i32 to index
      %parallel_loop3A_151 = arith.constant 112 : index
      %parallel_loop3A_152 = tpu.vector_load %arg11[%parallel_loop3A_150, %parallel_loop3A_151] {strides = array<i32>} : memref<80x128xf32, #tpu.memory_space<vmem>>, vector<1x16xf32>,
      %parallel_loop3A_153 = vector.shape_cast %parallel_loop3A_152 : vector<1x16xf32> to vector<16xf32>
      %parallel_loop3A_154 = vector.shape_cast %parallel_loop3A_149 : vector<16xf32> to vector<1x16xf32>
      tpu.vector_store %arg11[%parallel_loop3A_150, %parallel_loop3A_151], %parallel_loop3A_154 {add = true, strides = array<i32>} : memref<80x128xf32, #tpu.memory_space<vmem>>, vector<1x16xf32>,
    } {sc.loop_unroll_factor = 8 : i64, sc.parallel_access}
    %add3A_63 = arith.addi %mul3A_2, %multiple_of3A_51 : i32
    %dma_start3A_64 = arith.constant 0 : i32
    %dma_start3A_65 = tpu.memref_slice %arg6[%add3A_63, %dma_start3A_64] : memref<320000x128xf32, #tpu.memory_space<hbm>> -> memref<80x128xf32, #tpu.memory_space<hbm>>
    %dma_start3A_66 = arith.constant 0 : i32
    %dma_start3A_67 = tpu.memref_slice %arg6[%add3A_63, %dma_start3A_66] : memref<320000x128xf32, #tpu.memory_space<hbm>> -> memref<80x128xf32, #tpu.memory_space<hbm>>
    tpu.enqueue_dma source(%arg11 : memref<80x128xf32, #tpu.memory_space<vmem>>) target(%dma_start3A_67 : memref<80x128xf32, #tpu.memory_space<hbm>>) target_semaphore(%arg22 : memref<!tpu.dma_semaphore, #tpu.memory_space<semaphore_mem>>)
    %multiple_of3A_68 = arith.constant 9840 : i32
    %multiple_of3A_69 = tpu.assume_multiple %multiple_of3A_68, 80 : i32
    %add3A_70 = arith.addi %mul3A_2, %multiple_of3A_69 : i32
    %dma_wait3A_71 = arith.constant 0 : i32
    %dma_wait3A_72 = tpu.memref_slice %arg6[%add3A_70, %dma_wait3A_71] : memref<320000x128xf32, #tpu.memory_space<hbm>> -> memref<80x128xf32, #tpu.memory_space<hbm>>
    %dma_wait3A_73 = arith.constant 0 : i32
    %dma_wait3A_74 = tpu.memref_slice %arg6[%add3A_70, %dma_wait3A_73] : memref<320000x128xf32, #tpu.memory_space<hbm>> -> memref<80x128xf32, #tpu.memory_space<hbm>>
    tpu.wait_dma2 semaphore(%arg21 : memref<!tpu.dma_semaphore, #tpu.memory_space<semaphore_mem>>) src(%arg9 : memref<80x128xf32, #tpu.memory_space<vmem>>) dst(%dma_wait3A_74 : memref<80x128xf32, #tpu.memory_space<hbm>>)
    %multiple_of3A_75 = arith.constant 9920 : i32
    %multiple_of3A_76 = tpu.assume_multiple %multiple_of3A_75, 80 : i32
    %add3A_77 = arith.addi %mul3A_2, %multiple_of3A_76 : i32
    %dma_wait3A_78 = arith.constant 0 : i32
    %dma_wait3A_79 = tpu.memref_slice %arg6[%add3A_77, %dma_wait3A_78] : memref<320000x128xf32, #tpu.memory_space<hbm>> -> memref<80x128xf32, #tpu.memory_space<hbm>>
    %dma_wait3A_80 = arith.constant 0 : i32
    %dma_wait3A_81 = tpu.memref_slice %arg6[%add3A_77, %dma_wait3A_80] : memref<320000x128xf32, #tpu.memory_space<hbm>> -> memref<80x128xf32, #tpu.memory_space<hbm>>
    tpu.wait_dma2 semaphore(%arg22 : memref<!tpu.dma_semaphore, #tpu.memory_space<semaphore_mem>>) src(%arg11 : memref<80x128xf32, #tpu.memory_space<vmem>>) dst(%dma_wait3A_81 : memref<80x128xf32, #tpu.memory_space<hbm>>)
    return
  }
}

module attributes {stable_mosaic.version = 14 : i64} {
  func.func @_proj_body(%arg0: memref<10000x128xf32, #tpu.memory_space<vmem>>, %arg1: memref<128x128xf32, #tpu.memory_space<vmem>>, %arg2: memref<128x128xf32, #tpu.memory_space<vmem>>, %arg3: memref<10000x128xf32, #tpu.memory_space<vmem>>, %arg4: memref<10000x128xf32, #tpu.memory_space<vmem>>) attributes {dimension_semantics = [], scalar_prefetch = 0 : i64, scratch_operands = 0 : i64, tpu.core_type = #tpu.core_type<tc>} {
    %get3A = arith.constant 0 : index
    %get3A_0 = arith.constant 0 : index
    %get3A_1 = vector.load %arg0[%get3A, %get3A_0] : memref<10000x128xf32, #tpu.memory_space<vmem>>, vector<10000x128xf32>
    %get3A_2 = arith.constant 0 : index
    %get3A_3 = arith.constant 0 : index
    %get3A_4 = vector.load %arg1[%get3A_2, %get3A_3] : memref<128x128xf32, #tpu.memory_space<vmem>>, vector<128x128xf32>
    %dot_general3A = arith.constant dense<0.000000e+00> : vector<10000x128xf32>
    %dot_general3A_5 = tpu.matmul %get3A_1, %get3A_4, %dot_general3A {dimension_numbers = #tpu.dot_dimension_numbers<[1], [0], [0], [1], [0, 0, 1, 1], [], []>, transpose_lhs_hint = false} : vector<10000x128xf32>, vector<128x128xf32>, vector<10000x128xf32> -> vector<10000x128xf32>
    %swap3A = arith.constant 0 : index
    %swap3A_6 = arith.constant 0 : index
    %swap3A_7 = vector.load %arg3[%swap3A, %swap3A_6] : memref<10000x128xf32, #tpu.memory_space<vmem>>, vector<10000x128xf32>
    tpu.vector_store %arg3[%swap3A, %swap3A_6], %dot_general3A_5 {strides = array<i32>} : memref<10000x128xf32, #tpu.memory_space<vmem>>, vector<10000x128xf32>,
    %get3A_8 = arith.constant 0 : index
    %get3A_9 = arith.constant 0 : index
    %get3A_10 = vector.load %arg2[%get3A_8, %get3A_9] : memref<128x128xf32, #tpu.memory_space<vmem>>, vector<128x128xf32>
    %dot_general3A_11 = arith.constant dense<0.000000e+00> : vector<10000x128xf32>
    %dot_general3A_12 = tpu.matmul %get3A_1, %get3A_10, %dot_general3A_11 {dimension_numbers = #tpu.dot_dimension_numbers<[1], [0], [0], [1], [0, 0, 1, 1], [], []>, transpose_lhs_hint = false} : vector<10000x128xf32>, vector<128x128xf32>, vector<10000x128xf32> -> vector<10000x128xf32>
    %swap3A_13 = arith.constant 0 : index
    %swap3A_14 = arith.constant 0 : index
    %swap3A_15 = vector.load %arg4[%swap3A_13, %swap3A_14] : memref<10000x128xf32, #tpu.memory_space<vmem>>, vector<10000x128xf32>
    tpu.vector_store %arg4[%swap3A_13, %swap3A_14], %dot_general3A_12 {strides = array<i32>} : memref<10000x128xf32, #tpu.memory_space<vmem>>, vector<10000x128xf32>,
    return
  }
}

module attributes {stable_mosaic.version = 14 : i64} {
  func.func @_final_body(%arg0: i32, %arg1: memref<3200x16xf32, #tpu.memory_space<vmem>>, %arg2: memref<16x128xf32, #tpu.memory_space<vmem>>, %arg3: memref<1x128xf32, #tpu.memory_space<vmem>>, %arg4: memref<3200x128xf32, #tpu.memory_space<vmem>>, %arg5: memref<3200x128xf32, #tpu.memory_space<vmem>>) attributes {dimension_semantics = [#tpu.dimension_semantics<arbitrary>], iteration_bounds = array<i64: 100>, scalar_prefetch = 0 : i64, scratch_operands = 0 : i64, tpu.core_type = #tpu.core_type<tc>, window_params = [{transform_indices = @transform_0, window_bounds = array<i64: 3200, 16>}, {pipeline_mode = #tpu.pipeline_mode<synchronous>, transform_indices = @transform_1, window_bounds = array<i64: 16, 128>}, {pipeline_mode = #tpu.pipeline_mode<synchronous>, transform_indices = @transform_2, window_bounds = array<i64: 1, 128>}, {transform_indices = @transform_3, window_bounds = array<i64: 3200, 128>}, {transform_indices = @transform_4, window_bounds = array<i64: 3200, 128>}]} {
    %get3A = arith.constant 0 : index
    %get3A_0 = arith.constant 0 : index
    %get3A_1 = vector.load %arg1[%get3A, %get3A_0] : memref<3200x16xf32, #tpu.memory_space<vmem>>, vector<3200x16xf32>
    %get3A_2 = arith.constant 0 : index
    %get3A_3 = arith.constant 0 : index
    %get3A_4 = vector.load %arg2[%get3A_2, %get3A_3] : memref<16x128xf32, #tpu.memory_space<vmem>>, vector<16x128xf32>
    %dot_general3A = arith.constant dense<0.000000e+00> : vector<3200x128xf32>
    %dot_general3A_5 = tpu.matmul %get3A_1, %get3A_4, %dot_general3A {dimension_numbers = #tpu.dot_dimension_numbers<[1], [0], [0], [1], [0, 0, 1, 1], [], []>, transpose_lhs_hint = false} : vector<3200x16xf32>, vector<16x128xf32>, vector<3200x128xf32> -> vector<3200x128xf32>
    %get3A_6 = arith.constant 0 : index
    %get3A_7 = arith.constant 0 : index
    %get3A_8 = vector.load %arg4[%get3A_6, %get3A_7] : memref<3200x128xf32, #tpu.memory_space<vmem>>, vector<3200x128xf32>
    %add3A = arith.addf %dot_general3A_5, %get3A_8 : vector<3200x128xf32>
    %get3A_9 = arith.constant 0 : index
    %get3A_10 = arith.constant 0 : index
    %get3A_11 = vector.load %arg3[%get3A_9, %get3A_10] : memref<1x128xf32, #tpu.memory_space<vmem>>, vector<1x128xf32>
    %add3A_12 = vector.broadcast %get3A_11 : vector<1x128xf32> to vector<3200x128xf32>
    %add3A_13 = arith.addf %add3A, %add3A_12 : vector<3200x128xf32>
    %swap3A = arith.constant 0 : index
    %swap3A_14 = arith.constant 0 : index
    %swap3A_15 = vector.load %arg5[%swap3A, %swap3A_14] : memref<3200x128xf32, #tpu.memory_space<vmem>>, vector<3200x128xf32>
    tpu.vector_store %arg5[%swap3A, %swap3A_14], %add3A_13 {strides = array<i32>} : memref<3200x128xf32, #tpu.memory_space<vmem>>, vector<3200x128xf32>,
    return
  }
  func.func @transform_0(%arg0: i32) -> (i32, i32) {
    %add3A = arith.constant 0 : i32
    %add3A_0 = arith.addi %add3A, %arg0 : i32
    %c0_i32 = arith.constant 0 : i32
    %c0_i32_1 = arith.constant 0 : i32
    return %add3A_0, %c0_i32 : i32, i32
  }
  func.func @transform_1(%arg0: i32) -> (i32, i32) {
    %c0_i32 = arith.constant 0 : i32
    %c0_i32_0 = arith.constant 0 : i32
    %c0_i32_1 = arith.constant 0 : i32
    return %c0_i32, %c0_i32_0 : i32, i32
  }
  func.func @transform_2(%arg0: i32) -> (i32, i32) {
    %c0_i32 = arith.constant 0 : i32
    %c0_i32_0 = arith.constant 0 : i32
    %c0_i32_1 = arith.constant 0 : i32
    return %c0_i32, %c0_i32_0 : i32, i32
  }
  func.func @transform_3(%arg0: i32) -> (i32, i32) {
    %c0_i32 = arith.constant 0 : i32
    %c0_i32_0 = arith.constant 0 : i32
    return %arg0, %c0_i32 : i32, i32
  }
  func.func @transform_4(%arg0: i32) -> (i32, i32) {
    %add3A = arith.constant 0 : i32
    %add3A_0 = arith.addi %add3A, %arg0 : i32
    %c0_i32 = arith.constant 0 : i32
    %c0_i32_1 = arith.constant 0 : i32
    return %add3A_0, %c0_i32 : i32, i32
  }
}

</mosaic_0001>

<sc_bundles>
// kernel: kernel.5.cloned.1.call-start
scs
__scs_entry_jumppad:
0x0: {  	(pc) =	sbr.rel $0x88, $3  }
0x1: {  	(tag) =	ssettag $0x0;
	lr =	simm.s32 $0x1  }
0x2: {  	[smem:$0x3F9C] =	sst lr;
	_ =	strace $0xD0000000  }
0x3: {  	_ = 	snop  }
0x4: {  	_ = 	snop  }
0x5: {  	_ = 	snop  }
0x6: {  	_ = 	snop  }
0x7: {  	_ = 	snop  }
__scs_overlays_trampoline_lowered:
0x8: {  	[smem:$0x3FAB] =	sst s0  }
0x9: {  	[smem:$0x3FAC] =	sst s1  }
0xa: {  	[smem:$0x3FAD] =	sst s2  }
0xb: {  	[smem:$0x3FAE] =	sst s3  }
0xc: {  	[smem:$0x3FAF] =	sst s4  }
0xd: {  	[smem:$0x3FB0] =	sst s5  }
0xe: {  	[smem:$0x3FB1] =	sst s6  }
0xf: {  	[smem:$0x3FB2] =	sst s7  }
0x10: {  	[smem:$0x3FB3] =	sst s8  }
0x11: {  	[smem:$0x3FB4] =	sst s9;
	s0 =	simm.s32 @!p0 $0x0  }
0x12: {  	s1 =	sld [smem:$0x3F9A];
	s0 =	simm.s32 @p0 $0x1  }
0x13: {  	[smem:$0x3FB5] =	sst s0;
	s0 =	simm.s32 @!p1 $0x0  }
0x14: {  	s2 =	sld [smem:$0x3F99];
	s0 =	simm.s32 @p1 $0x1  }
0x15: {  	[smem:$0x3FB6] =	sst s0;
	s0 =	simm.s32 @!p2 $0x0  }
0x16: {  	s3 =	sld [smem:$0x3FDB];
	s0 =	simm.s32 @p2 $0x1  }
0x17: {  	s4 =	simm.s32 $0x1BF5;
	[smem:$0x3FB8] =	sst s0  }
0x18: {  	s0 =	sld [smem:$0x3F9B];
	_ =	swait.ge [sflag:s4], $0x0  }
0x19: {  	s7 =	sld [smem:$0x3F9C]  }
0x1a: {  	s8 =	sadd.s32 $0xFFFFE003, lr  }
0x1b: {  	s9 =	sadd.s32 $0xFFFFFEF7, lr;
	s5 =	simm.s32 $0xFFFFFFFF;
	p2 =	slt.u32 s8, $0xFFFFF086  }
0x1c: {  	p1 =	slt.u32 s9, $0xF7A;
	s5 =	simm.s32 @!p2 $0x0  }
0x1d: {  	s5 =	simm.s32 @p1 $0x1;
	p0 =	seq.s32 s7, s2  }
0x1e: {  	s7 =	smul.u32 @!p0 $0xF7A, s2;
	p2 =	seq.s32 @!p0 s5, $0x0  }
0x1f: {  	s9 =	smul.u32 $0xF7A, s1;
	s8 =	simm.s32 @!p0 $0x1BF5;
	p2 =	por !p2, p0  }
0x20: {  	[sflag:s8] =	ssyncset.s32 @!p0 $0xFFFFF086;
	s6 =	sadd.s32 @!p0 s3, s7;
	s7 =	simm.s32 @!p0 $0x108  }
0x21: {  	s3 =	sadd.s32 s3, s9;
	s6 =	sadd.s32 @!p0 $0x88, s6;
	s7 =	simm.s32 @p2 $0x1082  }
0x22: {  	[simem:s7], [sflag:s8] =	dma.local @!p0 [hbm:s6], $0xF7A  }
0x23: {  	s9 =	sor.u32 $0xD0000000, s2;
	s6 =	simm.s32 $0x108;
	_ =	swait.ge @!p0 [sflag:s8], $0x0  }
0x24: {  	s3 =	sadd.s32 $0x88, s3;
	s6 =	simm.s32 @!p1 $0x1082;
	[sflag:s4] =	ssyncset.s32 $0xFFFFF086  }
0x25: {  	[simem:s6], [sflag:s4] =	dma.local [hbm:s3], $0xF7A  }
0x26: {  	[smem:$0x3F9C] =	sst s1;
	(tag) =	ssettag s2;
	_ =	strace s9  }
0x27: {  	s1 =	sld [smem:$0x3FAC]  }
0x28: {  	s2 =	sld [smem:$0x3FAD]  }
0x29: {  	s4 =	sld [smem:$0x3FAF]  }
0x2a: {  	p0 =	seq.s32 s5, $0x0;
	s5 =	sld [smem:$0x3FB0]  }
0x2b: {  	s6 =	sld [smem:$0x3FB1]  }
0x2c: {  	s7 =	sld [smem:$0x3FB2]  }
0x2d: {  	s3 =	simm.s32 $0x108;
	s8 =	sld [smem:$0x3FB3]  }
0x2e: {  	s3 =	simm.s32 @!p0 $0x1082;
	s9 =	sld [smem:$0x3FB4]  }
0x2f: {  	lr =	sadd.s32 s0, s3;
	s0 =	sld [smem:$0x3FAB]  }
0x30: {  	s3 =	sld [smem:$0x3FAE]  }
0x31: {  	[smem:$0x3FB7] =	sst s10  }
0x32: {  	s10 =	sld [smem:$0x3FB5];
	_ =	sdelay $0x3  }
0x33: {  	p0 =	seq.s32 s10, $0x1;
	s10 =	sld [smem:$0x3FB7];
	_ =	sdelay $0x3  }
0x34: {  	[smem:$0x3FB7] =	sst s10  }
0x35: {  	s10 =	sld [smem:$0x3FB6];
	_ =	sdelay $0x3  }
0x36: {  	p1 =	seq.s32 s10, $0x1;
	s10 =	sld [smem:$0x3FB7];
	_ =	sdelay $0x3  }
0x37: {  	[smem:$0x3FB7] =	sst s10  }
0x38: {  	s10 =	sld [smem:$0x3FB8]  }
0x39: {  	_ = 	snop;
	(pc) =	sbr.ind lr, $3  }
0x3a: {  	_ = 	snop  }
0x3b: {  	_ = 	snop  }
0x3c: {  	p2 =	seq.s32 s10, $0x1;
	s10 =	sld [smem:$0x3FB7]  }
0x3d: {  	_ =	shalt  }
0x3e: {  	_ =	shalt  }
0x3f: {  	_ =	shalt  }
0x40: {  	_ =	shalt  }
0x41: {  	_ =	shalt  }
0x42: {  	_ =	shalt  }
0x43: {  	_ =	shalt  }
0x44: {  	_ =	shalt  }
0x45: {  	_ =	shalt  }
0x46: {  	_ =	shalt  }
0x47: {  	_ =	shalt  }
0x48: {  	_ =	shalt  }
0x49: {  	_ =	shalt  }
0x4a: {  	_ =	shalt  }
0x4b: {  	_ =	shalt  }
0x4c: {  	_ =	shalt  }
0x4d: {  	_ =	shalt  }
0x4e: {  	_ =	shalt  }
0x4f: {  	_ =	shalt  }
0x50: {  	_ =	shalt  }
0x51: {  	_ =	shalt  }
0x52: {  	_ =	shalt  }
0x53: {  	_ =	shalt  }
0x54: {  	_ =	shalt  }
0x55: {  	_ =	shalt  }
0x56: {  	_ =	shalt  }
0x57: {  	_ =	shalt  }
0x58: {  	_ =	shalt  }
0x59: {  	_ =	shalt  }
0x5a: {  	_ =	shalt  }
0x5b: {  	_ =	shalt  }
0x5c: {  	_ =	shalt  }
0x5d: {  	_ =	shalt  }
0x5e: {  	_ =	shalt  }
0x5f: {  	_ =	shalt  }
0x60: {  	_ =	shalt  }
0x61: {  	_ =	shalt  }
0x62: {  	_ =	shalt  }
0x63: {  	_ =	shalt  }
0x64: {  	_ =	shalt  }
0x65: {  	_ =	shalt  }
0x66: {  	_ =	shalt  }
0x67: {  	_ =	shalt  }
0x68: {  	_ =	shalt  }
0x69: {  	_ =	shalt  }
0x6a: {  	_ =	shalt  }
0x6b: {  	_ =	shalt  }
0x6c: {  	_ =	shalt  }
0x6d: {  	_ =	shalt  }
0x6e: {  	_ =	shalt  }
0x6f: {  	_ =	shalt  }
0x70: {  	_ =	shalt  }
0x71: {  	_ =	shalt  }
0x72: {  	_ =	shalt  }
0x73: {  	_ =	shalt  }
0x74: {  	_ =	shalt  }
0x75: {  	_ =	shalt  }
0x76: {  	_ =	shalt  }
0x77: {  	_ =	shalt  }
0x78: {  	_ =	shalt  }
0x79: {  	_ =	shalt  }
0x7a: {  	_ =	shalt  }
0x7b: {  	_ =	shalt  }
0x7c: {  	_ =	shalt  }
0x7d: {  	_ =	shalt  }
0x7e: {  	_ =	shalt  }
0x7f: {  	_ =	shalt  }
0x80: {  	_ =	shalt  }
0x81: {  	_ =	shalt  }
0x82: {  	_ =	shalt  }
0x83: {  	_ =	shalt  }
0x84: {  	_ =	shalt  }
0x85: {  	_ =	shalt  }
0x86: {  	_ =	shalt  }
0x87: {  	_ =	shalt  }
.Lfunc_end0:
.L_simem_size_0:
called_computation_lowered:
.L_overlay_start_0:
0x88: {  	s2 =	sld [smem:$0x3FD9]  }
0x89: {  	s3 =	sld [smem:$0x3FFE];
	_ =	sdelay $0x1  }
0x8a: {  	s1 =	srdreg.scid  }
0x8b: {  	s0 =	sand.u32 $0x1, s1  }
0x8c: {  	s17 =	sshll.u32 s0, $0xA;
	s2 =	sadd.s32 s3, s2  }
0x8d: {  	s2 =	sadd.s32 s2, s17  }
0x8e: {  	[smem:$0x3FC3] =	sst s2  }
0x8f: {  	_ = 	snop  }
0x90: {  	s2 =	sld [smem:$0x3FD0];
	(tm) =	ssettm $0x1  }
0x91: {  	s18 =	sld [smem:$0x3FFB];
	_ =	sdelay $0x3  }
0x92: {  	_ =	strace s18  }
0x93: {  	s3 =	sld [smem:$0x3FFC];
	_ =	sdelay $0x3  }
0x94: {  	_ =	strace s3  }
0x95: {  	s3 =	sld [smem:$0x3FFD];
	_ =	sdelay $0x3  }
0x96: {  	_ =	strace s3  }
0x97: {  	_ =	strace $0x8FFFFFFF  }
0x98: {  	s19 =	sld [smem:$0x3FDB];
	_ =	sdelay $0x1  }
0x99: {  	s4 =	simm.s32 $_scs_section_size  }
0x9a: {  	s5 =	simm.s32 $_size__tile_overlayer_lowered;
	s6 =	simm.s32 $_tile_overlayer_lowered  }
0x9b: {  	s22 =	simm.s32 $0x1BFF;
	s21 =	sshll.u32 s6, $0x1;
	s3 =	sadd.s32 s4, s19  }
0x9c: {  	s7 =	simm.s32 $0x0;
	s20 =	sshll.u32 s5, $0x1;
	s5 =	sadd.s32 s21, s3  }
0x9d: {  	[timem:s7], [sflag:s22] =	dma.local [hbm:s5], s20  }
0x9e: {  	_ =	swait.ge [sflag:s22], s20  }
0x9f: {  	s4 =	ssub.s32 $0x0, s20;
	[sflag:s22] =	ssyncset.done $0x0  }
0xa0: {  	[sflag:s22] =	ssyncadd.s32 s4;
	_ =	sdelay $0x1  }
0xa1: {  	s23 =	simm.s32 $0x1B8B  }
0xa2: {  	_ =	swait.ge [sflag:s23], $0x1  }
0xa3: {  	[sflag:s23] =	ssyncset.done $0x0  }
0xa4: {  	s25 =	simm.s32 $0x1B8E;
	s24 =	sld [smem:$0x3FFE];
	[sflag:s23] =	ssyncadd.s32 $0xFFFFFFFF  }
0xa5: {  	s26 =	simm.s32 $execute0_lowered;
	[smem:$0x3FD2] =	sst s25  }
0xa6: {  	s5 =	sshll.u32 s26, $0x1;
	_ =	strace $0x80000046;
	[dreg:$0x1] =	wrdreg $0xFFFFFFFF  }
0xa7: {  	s28 =	simm.s32 $_size_execute0_lowered;
	s3 =	sadd.s32 s3, s5;
	[dreg:$0x0] =	wrdreg $0x0  }
0xa8: {  	s5 =	sshll.u32 s28, $0x1;
	[dreg:$0x2] =	wrdreg s3  }
0xa9: {  	[dreg:$0x3] =	wrdreg s5  }
0xaa: {  	[dreg:$0x4] =	wrdreg $0xC0  }
0xab: {  	_ =	task [dreg:s7], $0x5FFFF  }
0xac: {  	[dreg:$0x1] =	wrdreg $0xFFFFFFFF  }
0xad: {  	[dreg:$0x0] =	wrdreg $0x60  }
0xae: {  	[dreg:$0x2] =	wrdreg s2  }
0xaf: {  	[dreg:$0x3] =	wrdreg s24  }
0xb0: {  	[dreg:$0x4] =	wrdreg $0x9  }
0xb1: {  	_ =	task.clear_ibuf [dreg:s7], $0x5FFFF;
	_ =	strace $0x90000046  }
0xb2: {  	s29 =	simm.s32 $0x9;
	_ =	strace $0x80000048  }
0xb3: {  	_ =	swait.ge [sflag:s29], $0x1  }
0xb4: {  	[sflag:s29] =	ssyncadd.s32 $0xFFFFFFFF  }
0xb5: {  	_ =	strace $0x90000048  }
0xb6: {  	_ =	sfence  }
0xb7: {  	s30 =	sld [smem:$0x0];
	_ =	sdelay $0x2  }
0xb8: {  	s31 =	sshll.u32 s1, $0xD;
	s1 =	sshrl.u32 s1, $0x2  }
0xb9: {  	s3 =	sand.u32 $0x4000, s31;
	s1 =	sadd.s32 s1, s30  }
0xba: {  	s0 =	sor.u32 s3, s0;
	s1 =	sshll.u32 s1, $0x11  }
0xbb: {  	s0 =	sor.u32 s1, s0  }
0xbc: {  	s0 =	sadd.s32 $0x8F2B, s0  }
0xbd: {  	[sflag:s0] =	ssyncadd.remote.s32 $0x1  }
0xbe: {  	_ =	sfence.sel $0xFFFF  }
0xbf: {  	[dreg:$0x0] =	wrdreg $0xFFFFFFFF;
	(pc) =	sbr.abs _section_cstart, $3  }
0xc0: {  	[dreg:$0x1] =	wrdreg $0xFFFFFFFF  }
0xc1: {  	_ =	task.clear_ibuf [dreg:s7], $0x2FFFF;
	_ =	strace $0x9FFFFFFF  }
0xc2: {  	(tm) =	ssettm $0x7FFFFFFF  }
0xc3: {  	_ =	shalt  }
tec
execute0_lowered:
.L_overlay_start_1:
0x0: {  	(tag) =	ssettag $0x1  }
0x1: {  	s2 =	rddreg [dreg:$0x0];
	s0 =	srdreg.scid  }
0x2: {  	s3 =	stileid.u32;
	s1 =	rddreg [dreg:$0x1]  }
0x3: {  	s13 =	simm.s32 $0xA;
	s15 =	simm.s32 $0x50;
	s16 =	simm.s32 $0x4F00  }
0x4: {  	s17 =	simm.s32 $0x7700;
	s18 =	simm.s32 $0x9F00;
	s20 =	simm.s32 $0xC700  }
0x5: {  	s21 =	simm.s32 $0x1;
	s22 =	simm.s32 $0x2;
	s28 =	simm.s32 $0x7  }
0x6: {  	s29 =	simm.s32 $0x5;
	s0 =	sand.u32 $0x1, s0;
	s4 =	sshll.u32 s3, $0x1  }
0x7: {  	s30 =	simm.s32 $0x6;
	s31 =	simm.s32 $0x8;
	s5 =	sor.u32 s0, s4  }
0x8: {  	s3 =	simm.s32 $0x0;
	s0 =	ssub.s32 $0x2, s0;
	s4 =	smul.u32 $0x2710, s5  }
0x9: {  	[smem:$0x7FF] =	sst s3;
	s7 =	smul.u32 $0x138800, s5;
	s9 =	sshrl.u32 s0, $0x1  }
0xa: {  	_ =	strace $0x80000047;
	s5 =	sadd.s32 $0x14400, s1;
	s0 =	ssub.s32 s0, s9  }
0xb: {  	s6 =	sshrl.u32 s4, $0x3;
	s23 =	sshrl.u32 s7, $0x3;
	s11 =	smax.u32 s0, $0x1  }
0xc: {  	s12 =	sadd.s32 $0x50, s4;
	s0 =	simm.s32 $0x0;
	s8 =	sadd.s32 s6, s1  }
0xd: {  	s6 =	sadd.s32 $0x3B600, s1;
	s24 =	sadd.s32 $0xA600, s8;
	s25 =	sadd.s32 $0x800, s8  }
0xe: {  	s1 =	sadd.s32 s6, s23;
	s23 =	simm.s32 $0xEF00;
	[dreg:$0x3] =	wrdreg s24  }
0xf: {  	[dreg:$0x4] =	wrdreg s25;
	s26 =	sadd.s32 $0x26700, s1;
	s1 =	sadd.s32 $0x26C00, s1  }
0x10: {  	s24 =	simm.s32 $0x11700;
	s25 =	simm.s32 $0x3;
	[dreg:$0x5] =	wrdreg s26  }
0x11: {  	[dreg:$0x6] =	wrdreg s1;
	s26 =	simm.s32 $0x4;
	s1 =	simm.s32 $0x9  }
.LBB2_1:
0x12: {  	s7 =	rddreg [dreg:$0x3]  }
0x13: {  	[tilespmem:s3], [sflag:$0xA] =	stream.linear.gather [hbm4b:s7+s3], $0x2710, $0x38;
	[tilespmem:$0x13F00] =	vst v63  }
0x14: {  	_ =	swait.ge [sflag:s13], $0x2710  }
0x15: {  	[sflag:s13] =	ssyncset.done $0x0  }
0x16: {  	s8 =	simm.s32 $0x2780;
	s14 =	rddreg [dreg:$0x4];
	[sflag:s13] =	ssyncadd.s32 $0xFFFFD8F0  }
0x17: {  	[tilespmem:s8], [sflag:$0xA] =	stream.linear.gather [hbm4b:s14+s3], $0x2710, $0x38;
	[tilespmem:$0x13F00] =	vst v63  }
0x18: {  	_ =	swait.ge [sflag:s13], $0x2710  }
0x19: {  	[sflag:s13] =	ssyncset.done $0x0  }
0x1a: {  	[sflag:s13] =	ssyncadd.s32 $0xFFFFD8F0  }
0x1b: {  	[tilespmem:s16], [sflag:$0x1] =	stream.indirect.gather [hbm4b:s2+s15], $0x80, s3, s15, $0xb8;
	[tilespmem:$0x13F00] =	vst v63  }
0x1c: {  	_ = 	snop  }
0x1d: {  	[tilespmem:s17], [sflag:$0x2] =	stream.indirect.gather [hbm4b:s5+s15], $0x80, s8, s15, $0xb8;
	[tilespmem:$0x13F00] =	vst v63  }
0x1e: {  	_ = 	snop  }
0x1f: {  	[tilespmem:s18], [sflag:$0x3] =	stream.indirect.gather [hbm4b:s2+s15], $0x80, s15, s15, $0xb8;
	[tilespmem:$0x13F00] =	vst v63  }
0x20: {  	s19 =	simm.s32 $0x27D0  }
0x21: {  	[tilespmem:s20], [sflag:$0x4] =	stream.indirect.gather [hbm4b:s5+s15], $0x80, s19, s15, $0xb8;
	[tilespmem:$0x13F00] =	vst v63  }
0x22: {  	s19 =	simm.s32 $0x0  }
.LBB2_2:
0x23: {  	_ =	swait.ge [sflag:s21], $0x2800  }
0x24: {  	[sflag:s21] =	ssyncset.done $0x0  }
0x25: {  	[sflag:s21] =	ssyncadd.s32 $0xFFFFD800  }
0x26: {  	_ =	swait.ge [sflag:s22], $0x2800  }
0x27: {  	[sflag:s22] =	ssyncset.done $0x0  }
0x28: {  	s7 =	simm.s32 $0x0;
	[sflag:s22] =	ssyncadd.s32 $0xFFFFD800  }
0x29: {  	v0 =	vld [tilespmem:s7+$0x7AF0]  }
0x2a: {  	v1 =	vld [tilespmem:s7+$0x7700]  }
0x2b: {  	v2 =	vld [tilespmem:s7+$0x7710]  }
0x2c: {  	v3 =	vld [tilespmem:s7+$0x7720]  }
0x2d: {  	v4 =	vld [tilespmem:s7+$0x7730]  }
0x2e: {  	v5 =	vld [tilespmem:s7+$0x7740]  }
0x2f: {  	v6 =	vld [tilespmem:s7+$0x7750]  }
0x30: {  	v7 =	vld [tilespmem:s7+$0x7760]  }
0x31: {  	v8 =	vld [tilespmem:s7+$0x7770]  }
0x32: {  	v9 =	vld [tilespmem:s7+$0x7780]  }
0x33: {  	v10 =	vld [tilespmem:s7+$0x7790]  }
0x34: {  	v11 =	vld [tilespmem:s7+$0x77A0]  }
0x35: {  	v12 =	vld [tilespmem:s7+$0x77B0]  }
0x36: {  	v13 =	vld [tilespmem:s7+$0x77C0]  }
0x37: {  	v14 =	vld [tilespmem:s7+$0x77D0]  }
0x38: {  	v15 =	vld [tilespmem:s7+$0x77E0]  }
0x39: {  	v16 =	vld [tilespmem:s7+$0x77F0]  }
0x3a: {  	v17 =	vld [tilespmem:s7+$0x7800]  }
0x3b: {  	v18 =	vld [tilespmem:s7+$0x7810]  }
0x3c: {  	v19 =	vld [tilespmem:s7+$0x7820]  }
0x3d: {  	v20 =	vld [tilespmem:s7+$0x7830]  }
0x3e: {  	v21 =	vld [tilespmem:s7+$0x7840]  }
0x3f: {  	v22 =	vld [tilespmem:s7+$0x7850]  }
0x40: {  	v23 =	vld [tilespmem:s7+$0x7860]  }
0x41: {  	v24 =	vld [tilespmem:s7+$0x7870]  }
0x42: {  	v25 =	vld [tilespmem:s7+$0x7880]  }
0x43: {  	v26 =	vld [tilespmem:s7+$0x7890]  }
0x44: {  	v27 =	vld [tilespmem:s7+$0x78A0]  }
0x45: {  	v28 =	vld [tilespmem:s7+$0x78B0]  }
0x46: {  	v29 =	vld [tilespmem:s7+$0x78C0]  }
0x47: {  	v30 =	vld [tilespmem:s7+$0x78D0]  }
0x48: {  	v31 =	vld [tilespmem:s7+$0x78E0]  }
0x49: {  	v32 =	vld [tilespmem:s7+$0x78F0]  }
0x4a: {  	v33 =	vld [tilespmem:s7+$0x7900]  }
0x4b: {  	v34 =	vld [tilespmem:s7+$0x7910]  }
0x4c: {  	v35 =	vld [tilespmem:s7+$0x7920]  }
0x4d: {  	v36 =	vld [tilespmem:s7+$0x7930]  }
0x4e: {  	v37 =	vld [tilespmem:s7+$0x7940]  }
0x4f: {  	v38 =	vld [tilespmem:s7+$0x7950]  }
0x50: {  	v39 =	vld [tilespmem:s7+$0x7960]  }
0x51: {  	v40 =	vld [tilespmem:s7+$0x7970]  }
0x52: {  	v41 =	vld [tilespmem:s7+$0x7980]  }
0x53: {  	v42 =	vld [tilespmem:s7+$0x7990]  }
0x54: {  	v43 =	vld [tilespmem:s7+$0x79A0]  }
0x55: {  	v44 =	vld [tilespmem:s7+$0x79B0]  }
0x56: {  	v45 =	vld [tilespmem:s7+$0x79C0]  }
0x57: {  	v46 =	vld [tilespmem:s7+$0x79D0]  }
0x58: {  	v47 =	vld [tilespmem:s7+$0x79E0]  }
0x59: {  	v48 =	vld [tilespmem:s7+$0x79F0]  }
0x5a: {  	v49 =	vld [tilespmem:s7+$0x7A00]  }
0x5b: {  	v50 =	vld [tilespmem:s7+$0x7A10]  }
0x5c: {  	v51 =	vld [tilespmem:s7+$0x7A20]  }
0x5d: {  	v52 =	vld [tilespmem:s7+$0x7A30]  }
0x5e: {  	v53 =	vld [tilespmem:s7+$0x7A40]  }
0x5f: {  	v54 =	vld [tilespmem:s7+$0x7A50]  }
0x60: {  	v55 =	vld [tilespmem:s7+$0x7A60]  }
0x61: {  	v56 =	vld [tilespmem:s7+$0x7A70]  }
0x62: {  	v57 =	vld [tilespmem:s7+$0x7A80]  }
0x63: {  	v58 =	vld [tilespmem:s7+$0x7A90]  }
0x64: {  	v59 =	vld [tilespmem:s7+$0x7AA0]  }
0x65: {  	v60 =	vld [tilespmem:s7+$0x7AB0]  }
0x66: {  	v61 =	vld [tilespmem:s7+$0x7AC0]  }
0x67: {  	v62 =	vld [tilespmem:s7+$0x7AD0]  }
0x68: {  	[tilespmem:s7+$0x52F0] =	vst.add.f32.msk $0xffff, v0  }
0x69: {  	v0 =	vld [tilespmem:s7+$0x7AE0]  }
0x6a: {  	[tilespmem:s7+$0x4F00] =	vst.add.f32.msk $0xffff, v1  }
0x6b: {  	[tilespmem:s7+$0x4F10] =	vst.add.f32.msk $0xffff, v2  }
0x6c: {  	[tilespmem:s7+$0x4F20] =	vst.add.f32.msk $0xffff, v3  }
0x6d: {  	[tilespmem:s7+$0x4F30] =	vst.add.f32.msk $0xffff, v4  }
0x6e: {  	[tilespmem:s7+$0x4F40] =	vst.add.f32.msk $0xffff, v5  }
0x6f: {  	[tilespmem:s7+$0x4F50] =	vst.add.f32.msk $0xffff, v6  }
0x70: {  	[tilespmem:s7+$0x4F60] =	vst.add.f32.msk $0xffff, v7  }
0x71: {  	[tilespmem:s7+$0x4F70] =	vst.add.f32.msk $0xffff, v8  }
0x72: {  	[tilespmem:s7+$0x4F80] =	vst.add.f32.msk $0xffff, v9  }
0x73: {  	[tilespmem:s7+$0x4F90] =	vst.add.f32.msk $0xffff, v10  }
0x74: {  	[tilespmem:s7+$0x4FA0] =	vst.add.f32.msk $0xffff, v11  }
0x75: {  	[tilespmem:s7+$0x4FB0] =	vst.add.f32.msk $0xffff, v12  }
0x76: {  	[tilespmem:s7+$0x4FC0] =	vst.add.f32.msk $0xffff, v13  }
0x77: {  	[tilespmem:s7+$0x4FD0] =	vst.add.f32.msk $0xffff, v14  }
0x78: {  	[tilespmem:s7+$0x4FE0] =	vst.add.f32.msk $0xffff, v15  }
0x79: {  	[tilespmem:s7+$0x4FF0] =	vst.add.f32.msk $0xffff, v16  }
0x7a: {  	[tilespmem:s7+$0x5000] =	vst.add.f32.msk $0xffff, v17  }
0x7b: {  	[tilespmem:s7+$0x5010] =	vst.add.f32.msk $0xffff, v18  }
0x7c: {  	[tilespmem:s7+$0x5020] =	vst.add.f32.msk $0xffff, v19  }
0x7d: {  	[tilespmem:s7+$0x5030] =	vst.add.f32.msk $0xffff, v20  }
0x7e: {  	[tilespmem:s7+$0x5040] =	vst.add.f32.msk $0xffff, v21  }
0x7f: {  	[tilespmem:s7+$0x5050] =	vst.add.f32.msk $0xffff, v22  }
0x80: {  	[tilespmem:s7+$0x5060] =	vst.add.f32.msk $0xffff, v23  }
0x81: {  	[tilespmem:s7+$0x5070] =	vst.add.f32.msk $0xffff, v24  }
0x82: {  	[tilespmem:s7+$0x5080] =	vst.add.f32.msk $0xffff, v25  }
0x83: {  	[tilespmem:s7+$0x5090] =	vst.add.f32.msk $0xffff, v26  }
0x84: {  	[tilespmem:s7+$0x50A0] =	vst.add.f32.msk $0xffff, v27  }
0x85: {  	[tilespmem:s7+$0x50B0] =	vst.add.f32.msk $0xffff, v28  }
0x86: {  	[tilespmem:s7+$0x50C0] =	vst.add.f32.msk $0xffff, v29  }
0x87: {  	[tilespmem:s7+$0x50D0] =	vst.add.f32.msk $0xffff, v30  }
0x88: {  	[tilespmem:s7+$0x50E0] =	vst.add.f32.msk $0xffff, v31  }
0x89: {  	[tilespmem:s7+$0x50F0] =	vst.add.f32.msk $0xffff, v32  }
0x8a: {  	[tilespmem:s7+$0x5100] =	vst.add.f32.msk $0xffff, v33  }
0x8b: {  	[tilespmem:s7+$0x5110] =	vst.add.f32.msk $0xffff, v34  }
0x8c: {  	[tilespmem:s7+$0x5120] =	vst.add.f32.msk $0xffff, v35  }
0x8d: {  	[tilespmem:s7+$0x5130] =	vst.add.f32.msk $0xffff, v36  }
0x8e: {  	[tilespmem:s7+$0x5140] =	vst.add.f32.msk $0xffff, v37  }
0x8f: {  	[tilespmem:s7+$0x5150] =	vst.add.f32.msk $0xffff, v38  }
0x90: {  	[tilespmem:s7+$0x5160] =	vst.add.f32.msk $0xffff, v39  }
0x91: {  	[tilespmem:s7+$0x5170] =	vst.add.f32.msk $0xffff, v40  }
0x92: {  	[tilespmem:s7+$0x5180] =	vst.add.f32.msk $0xffff, v41  }
0x93: {  	[tilespmem:s7+$0x5190] =	vst.add.f32.msk $0xffff, v42  }
0x94: {  	[tilespmem:s7+$0x51A0] =	vst.add.f32.msk $0xffff, v43  }
0x95: {  	[tilespmem:s7+$0x51B0] =	vst.add.f32.msk $0xffff, v44  }
0x96: {  	[tilespmem:s7+$0x51C0] =	vst.add.f32.msk $0xffff, v45  }
0x97: {  	[tilespmem:s7+$0x51D0] =	vst.add.f32.msk $0xffff, v46  }
0x98: {  	[tilespmem:s7+$0x51E0] =	vst.add.f32.msk $0xffff, v47  }
0x99: {  	[tilespmem:s7+$0x51F0] =	vst.add.f32.msk $0xffff, v48  }
0x9a: {  	[tilespmem:s7+$0x5200] =	vst.add.f32.msk $0xffff, v49  }
0x9b: {  	[tilespmem:s7+$0x5210] =	vst.add.f32.msk $0xffff, v50  }
0x9c: {  	[tilespmem:s7+$0x5220] =	vst.add.f32.msk $0xffff, v51  }
0x9d: {  	[tilespmem:s7+$0x5230] =	vst.add.f32.msk $0xffff, v52  }
0x9e: {  	[tilespmem:s7+$0x5240] =	vst.add.f32.msk $0xffff, v53  }
0x9f: {  	[tilespmem:s7+$0x5250] =	vst.add.f32.msk $0xffff, v54  }
0xa0: {  	[tilespmem:s7+$0x5260] =	vst.add.f32.msk $0xffff, v55  }
0xa1: {  	[tilespmem:s7+$0x5270] =	vst.add.f32.msk $0xffff, v56  }
0xa2: {  	[tilespmem:s7+$0x5280] =	vst.add.f32.msk $0xffff, v57  }
0xa3: {  	[tilespmem:s7+$0x5290] =	vst.add.f32.msk $0xffff, v58  }
0xa4: {  	[tilespmem:s7+$0x52A0] =	vst.add.f32.msk $0xffff, v59  }
0xa5: {  	[tilespmem:s7+$0x52B0] =	vst.add.f32.msk $0xffff, v60  }
0xa6: {  	[tilespmem:s7+$0x52C0] =	vst.add.f32.msk $0xffff, v61  }
0xa7: {  	s8 =	simm.s32 $0x0;
	s9 =	simm.s32 $0x1000;
	[tilespmem:s7+$0x52D0] =	vst.add.f32.msk $0xffff, v62  }
.LBB2_3:
0xa8: {  	s8 =	sadd.s32 $0x8, s8;
	[tilespmem:s7+$0x52E0] =	vst.add.f32.msk $0xffff, v0;
	s7 =	sshra.s32 s9, $0x2  }
0xa9: {  	v0 =	vld [tilespmem:s7+$0x7AF0];
	p0 =	slt.u32 s8, $0x48  }
0xaa: {  	v1 =	vld [tilespmem:s7+$0x7700]  }
0xab: {  	v2 =	vld [tilespmem:s7+$0x7710]  }
0xac: {  	v3 =	vld [tilespmem:s7+$0x7720]  }
0xad: {  	v4 =	vld [tilespmem:s7+$0x7730]  }
0xae: {  	[tilespmem:s7+$0x52F0] =	vst.add.f32.msk $0xffff, v0  }
0xaf: {  	v5 =	vld [tilespmem:s7+$0x7740]  }
0xb0: {  	v6 =	vld [tilespmem:s7+$0x7750]  }
0xb1: {  	v7 =	vld [tilespmem:s7+$0x7760]  }
0xb2: {  	v8 =	vld [tilespmem:s7+$0x7770]  }
0xb3: {  	v9 =	vld [tilespmem:s7+$0x7780]  }
0xb4: {  	v10 =	vld [tilespmem:s7+$0x7790]  }
0xb5: {  	v11 =	vld [tilespmem:s7+$0x77A0]  }
0xb6: {  	v12 =	vld [tilespmem:s7+$0x77B0]  }
0xb7: {  	v13 =	vld [tilespmem:s7+$0x77C0]  }
0xb8: {  	v14 =	vld [tilespmem:s7+$0x77D0]  }
0xb9: {  	v15 =	vld [tilespmem:s7+$0x77E0]  }
0xba: {  	v16 =	vld [tilespmem:s7+$0x77F0]  }
0xbb: {  	v17 =	vld [tilespmem:s7+$0x7800]  }
0xbc: {  	v18 =	vld [tilespmem:s7+$0x7810]  }
0xbd: {  	v19 =	vld [tilespmem:s7+$0x7820]  }
0xbe: {  	v20 =	vld [tilespmem:s7+$0x7830]  }
0xbf: {  	v21 =	vld [tilespmem:s7+$0x7840]  }
0xc0: {  	v22 =	vld [tilespmem:s7+$0x7850]  }
0xc1: {  	v23 =	vld [tilespmem:s7+$0x7860]  }
0xc2: {  	v24 =	vld [tilespmem:s7+$0x7870]  }
0xc3: {  	v25 =	vld [tilespmem:s7+$0x7880]  }
0xc4: {  	v26 =	vld [tilespmem:s7+$0x7890]  }
0xc5: {  	v27 =	vld [tilespmem:s7+$0x78A0]  }
0xc6: {  	v28 =	vld [tilespmem:s7+$0x78B0]  }
0xc7: {  	v29 =	vld [tilespmem:s7+$0x78C0]  }
0xc8: {  	v30 =	vld [tilespmem:s7+$0x78D0]  }
0xc9: {  	v31 =	vld [tilespmem:s7+$0x78E0]  }
0xca: {  	v32 =	vld [tilespmem:s7+$0x78F0]  }
0xcb: {  	v33 =	vld [tilespmem:s7+$0x7900]  }
0xcc: {  	v34 =	vld [tilespmem:s7+$0x7910]  }
0xcd: {  	v35 =	vld [tilespmem:s7+$0x7920]  }
0xce: {  	v36 =	vld [tilespmem:s7+$0x7930]  }
0xcf: {  	v37 =	vld [tilespmem:s7+$0x7940]  }
0xd0: {  	v38 =	vld [tilespmem:s7+$0x7950]  }
0xd1: {  	v39 =	vld [tilespmem:s7+$0x7960]  }
0xd2: {  	v40 =	vld [tilespmem:s7+$0x7970]  }
0xd3: {  	v41 =	vld [tilespmem:s7+$0x7980]  }
0xd4: {  	v42 =	vld [tilespmem:s7+$0x7990]  }
0xd5: {  	v43 =	vld [tilespmem:s7+$0x79A0]  }
0xd6: {  	v44 =	vld [tilespmem:s7+$0x79B0]  }
0xd7: {  	v45 =	vld [tilespmem:s7+$0x79C0]  }
0xd8: {  	v46 =	vld [tilespmem:s7+$0x79D0]  }
0xd9: {  	v47 =	vld [tilespmem:s7+$0x79E0]  }
0xda: {  	v48 =	vld [tilespmem:s7+$0x79F0]  }
0xdb: {  	v49 =	vld [tilespmem:s7+$0x7A00]  }
0xdc: {  	v50 =	vld [tilespmem:s7+$0x7A10]  }
0xdd: {  	v51 =	vld [tilespmem:s7+$0x7A20]  }
0xde: {  	v52 =	vld [tilespmem:s7+$0x7A30]  }
0xdf: {  	v53 =	vld [tilespmem:s7+$0x7A40]  }
0xe0: {  	v54 =	vld [tilespmem:s7+$0x7A50]  }
0xe1: {  	v55 =	vld [tilespmem:s7+$0x7A60]  }
0xe2: {  	v56 =	vld [tilespmem:s7+$0x7A70]  }
0xe3: {  	v57 =	vld [tilespmem:s7+$0x7A80]  }
0xe4: {  	v58 =	vld [tilespmem:s7+$0x7A90]  }
0xe5: {  	v59 =	vld [tilespmem:s7+$0x7AA0]  }
0xe6: {  	v60 =	vld [tilespmem:s7+$0x7AB0]  }
0xe7: {  	v61 =	vld [tilespmem:s7+$0x7AC0]  }
0xe8: {  	v62 =	vld [tilespmem:s7+$0x7AD0]  }
0xe9: {  	v0 =	vld [tilespmem:s7+$0x7AE0]  }
0xea: {  	[tilespmem:s7+$0x4F00] =	vst.add.f32.msk $0xffff, v1  }
0xeb: {  	[tilespmem:s7+$0x4F10] =	vst.add.f32.msk $0xffff, v2  }
0xec: {  	[tilespmem:s7+$0x4F20] =	vst.add.f32.msk $0xffff, v3  }
0xed: {  	[tilespmem:s7+$0x4F30] =	vst.add.f32.msk $0xffff, v4  }
0xee: {  	[tilespmem:s7+$0x4F40] =	vst.add.f32.msk $0xffff, v5  }
0xef: {  	[tilespmem:s7+$0x4F50] =	vst.add.f32.msk $0xffff, v6  }
0xf0: {  	[tilespmem:s7+$0x4F60] =	vst.add.f32.msk $0xffff, v7  }
0xf1: {  	[tilespmem:s7+$0x4F70] =	vst.add.f32.msk $0xffff, v8  }
0xf2: {  	[tilespmem:s7+$0x4F80] =	vst.add.f32.msk $0xffff, v9  }
0xf3: {  	[tilespmem:s7+$0x4F90] =	vst.add.f32.msk $0xffff, v10  }
0xf4: {  	[tilespmem:s7+$0x4FA0] =	vst.add.f32.msk $0xffff, v11  }
0xf5: {  	[tilespmem:s7+$0x4FB0] =	vst.add.f32.msk $0xffff, v12  }
0xf6: {  	[tilespmem:s7+$0x4FC0] =	vst.add.f32.msk $0xffff, v13  }
0xf7: {  	[tilespmem:s7+$0x4FD0] =	vst.add.f32.msk $0xffff, v14  }
0xf8: {  	[tilespmem:s7+$0x4FE0] =	vst.add.f32.msk $0xffff, v15  }
0xf9: {  	[tilespmem:s7+$0x4FF0] =	vst.add.f32.msk $0xffff, v16  }
0xfa: {  	[tilespmem:s7+$0x5000] =	vst.add.f32.msk $0xffff, v17  }
0xfb: {  	[tilespmem:s7+$0x5010] =	vst.add.f32.msk $0xffff, v18  }
0xfc: {  	[tilespmem:s7+$0x5020] =	vst.add.f32.msk $0xffff, v19  }
0xfd: {  	[tilespmem:s7+$0x5030] =	vst.add.f32.msk $0xffff, v20  }
0xfe: {  	[tilespmem:s7+$0x5040] =	vst.add.f32.msk $0xffff, v21  }
0xff: {  	[tilespmem:s7+$0x5050] =	vst.add.f32.msk $0xffff, v22  }
0x100: {  	[tilespmem:s7+$0x5060] =	vst.add.f32.msk $0xffff, v23  }
0x101: {  	[tilespmem:s7+$0x5070] =	vst.add.f32.msk $0xffff, v24  }
0x102: {  	[tilespmem:s7+$0x5080] =	vst.add.f32.msk $0xffff, v25  }
0x103: {  	[tilespmem:s7+$0x5090] =	vst.add.f32.msk $0xffff, v26  }
0x104: {  	[tilespmem:s7+$0x50A0] =	vst.add.f32.msk $0xffff, v27  }
0x105: {  	[tilespmem:s7+$0x50B0] =	vst.add.f32.msk $0xffff, v28  }
0x106: {  	[tilespmem:s7+$0x50C0] =	vst.add.f32.msk $0xffff, v29  }
0x107: {  	[tilespmem:s7+$0x50D0] =	vst.add.f32.msk $0xffff, v30  }
0x108: {  	[tilespmem:s7+$0x50E0] =	vst.add.f32.msk $0xffff, v31  }
0x109: {  	[tilespmem:s7+$0x50F0] =	vst.add.f32.msk $0xffff, v32  }
0x10a: {  	[tilespmem:s7+$0x5100] =	vst.add.f32.msk $0xffff, v33  }
0x10b: {  	[tilespmem:s7+$0x5110] =	vst.add.f32.msk $0xffff, v34  }
0x10c: {  	[tilespmem:s7+$0x5120] =	vst.add.f32.msk $0xffff, v35  }
0x10d: {  	[tilespmem:s7+$0x5130] =	vst.add.f32.msk $0xffff, v36  }
0x10e: {  	[tilespmem:s7+$0x5140] =	vst.add.f32.msk $0xffff, v37  }
0x10f: {  	[tilespmem:s7+$0x5150] =	vst.add.f32.msk $0xffff, v38  }
0x110: {  	[tilespmem:s7+$0x5160] =	vst.add.f32.msk $0xffff, v39  }
0x111: {  	[tilespmem:s7+$0x5170] =	vst.add.f32.msk $0xffff, v40  }
0x112: {  	[tilespmem:s7+$0x5180] =	vst.add.f32.msk $0xffff, v41  }
0x113: {  	[tilespmem:s7+$0x5190] =	vst.add.f32.msk $0xffff, v42  }
0x114: {  	[tilespmem:s7+$0x51A0] =	vst.add.f32.msk $0xffff, v43  }
0x115: {  	[tilespmem:s7+$0x51B0] =	vst.add.f32.msk $0xffff, v44  }
0x116: {  	[tilespmem:s7+$0x51C0] =	vst.add.f32.msk $0xffff, v45  }
0x117: {  	[tilespmem:s7+$0x51D0] =	vst.add.f32.msk $0xffff, v46  }
0x118: {  	[tilespmem:s7+$0x51E0] =	vst.add.f32.msk $0xffff, v47  }
0x119: {  	[tilespmem:s7+$0x51F0] =	vst.add.f32.msk $0xffff, v48  }
0x11a: {  	[tilespmem:s7+$0x5200] =	vst.add.f32.msk $0xffff, v49  }
0x11b: {  	[tilespmem:s7+$0x5210] =	vst.add.f32.msk $0xffff, v50  }
0x11c: {  	[tilespmem:s7+$0x5220] =	vst.add.f32.msk $0xffff, v51  }
0x11d: {  	[tilespmem:s7+$0x5230] =	vst.add.f32.msk $0xffff, v52  }
0x11e: {  	[tilespmem:s7+$0x5240] =	vst.add.f32.msk $0xffff, v53  }
0x11f: {  	[tilespmem:s7+$0x5250] =	vst.add.f32.msk $0xffff, v54  }
0x120: {  	[tilespmem:s7+$0x5260] =	vst.add.f32.msk $0xffff, v55  }
0x121: {  	[tilespmem:s7+$0x5270] =	vst.add.f32.msk $0xffff, v56  }
0x122: {  	[tilespmem:s7+$0x5280] =	vst.add.f32.msk $0xffff, v57  }
.Ltmp0:
0x123: {  	[tilespmem:s7+$0x5290] =	vst.add.f32.msk $0xffff, v58;
	(pc) =	sbr.rel @p0 .LBB2_3-.Ltmp0, $4  }
0x124: {  	[tilespmem:s7+$0x52A0] =	vst.add.f32.msk $0xffff, v59  }
0x125: {  	[tilespmem:s7+$0x52B0] =	vst.add.f32.msk $0xffff, v60  }
0x126: {  	[tilespmem:s7+$0x52C0] =	vst.add.f32.msk $0xffff, v61  }
0x127: {  	s9 =	sadd.s32 $0x1000, s9;
	[tilespmem:s7+$0x52D0] =	vst.add.f32.msk $0xffff, v62  }
0x128: {  	s14 =	smul.u32 $0xF0, s19;
	_ =	sdelay $0x1  }
0x129: {  	s8 =	sadd.s32 s4, s14  }
0x12a: {  	p0 =	seq.s32 s19, $0x0;
	s8 =	sshll.u32 s8, $0x4  }
0x12b: {  	[tilespmem:s7+$0x52E0] =	vst.add.f32.msk $0xffff, v0;
	s7 =	simm.s32 @!p0 $0x9;
	s9 =	sadd.s32 s6, s8  }
0x12c: {  	[hbm4b:s9+s3] =	stream.linear.scatter [tilespmem:s16], [sflag:$0x7], $0x2800, $0x38;
	[tilespmem:$0x13F00] =	vst v63  }
0x12d: {  	_ =	swait.ge @!p0 [sflag:s7], $0x2800  }
0x12e: {  	[sflag:s7] =	ssyncset.done @!p0 $0x0  }
0x12f: {  	[sflag:s7] =	ssyncadd.s32 @!p0 $0xFFFFD800;
	s7 =	sadd.s32 $0xA0, s14  }
0x130: {  	[tilespmem:s23], [sflag:$0x5] =	stream.indirect.gather [hbm4b:s2+s15], $0x80, s7, s15, $0xb8;
	[tilespmem:$0x13F00] =	vst v63  }
0x131: {  	s10 =	sadd.s32 $0x2820, s14  }
0x132: {  	[tilespmem:s24], [sflag:$0x6] =	stream.indirect.gather [hbm4b:s5+s15], $0x80, s10, s15, $0xb8;
	[tilespmem:$0x13F00] =	vst v63  }
0x133: {  	_ =	swait.ge [sflag:s25], $0x2800  }
0x134: {  	[sflag:s25] =	ssyncset.done $0x0  }
0x135: {  	[sflag:s25] =	ssyncadd.s32 $0xFFFFD800  }
0x136: {  	_ =	swait.ge [sflag:s26], $0x2800  }
0x137: {  	[sflag:s26] =	ssyncset.done $0x0  }
0x138: {  	s8 =	simm.s32 $0x0;
	[sflag:s26] =	ssyncadd.s32 $0xFFFFD800  }
0x139: {  	v0 =	vld [tilespmem:s8+$0xCAF0]  }
0x13a: {  	v1 =	vld [tilespmem:s8+$0xC700]  }
0x13b: {  	v2 =	vld [tilespmem:s8+$0xC710]  }
0x13c: {  	v3 =	vld [tilespmem:s8+$0xC720]  }
0x13d: {  	v4 =	vld [tilespmem:s8+$0xC730]  }
0x13e: {  	v5 =	vld [tilespmem:s8+$0xC740]  }
0x13f: {  	v6 =	vld [tilespmem:s8+$0xC750]  }
0x140: {  	v7 =	vld [tilespmem:s8+$0xC760]  }
0x141: {  	v8 =	vld [tilespmem:s8+$0xC770]  }
0x142: {  	v9 =	vld [tilespmem:s8+$0xC780]  }
0x143: {  	v10 =	vld [tilespmem:s8+$0xC790]  }
0x144: {  	v11 =	vld [tilespmem:s8+$0xC7A0]  }
0x145: {  	v12 =	vld [tilespmem:s8+$0xC7B0]  }
0x146: {  	v13 =	vld [tilespmem:s8+$0xC7C0]  }
0x147: {  	v14 =	vld [tilespmem:s8+$0xC7D0]  }
0x148: {  	v15 =	vld [tilespmem:s8+$0xC7E0]  }
0x149: {  	v16 =	vld [tilespmem:s8+$0xC7F0]  }
0x14a: {  	v17 =	vld [tilespmem:s8+$0xC800]  }
0x14b: {  	v18 =	vld [tilespmem:s8+$0xC810]  }
0x14c: {  	v19 =	vld [tilespmem:s8+$0xC820]  }
0x14d: {  	v20 =	vld [tilespmem:s8+$0xC830]  }
0x14e: {  	v21 =	vld [tilespmem:s8+$0xC840]  }
0x14f: {  	v22 =	vld [tilespmem:s8+$0xC850]  }
0x150: {  	v23 =	vld [tilespmem:s8+$0xC860]  }
0x151: {  	v24 =	vld [tilespmem:s8+$0xC870]  }
0x152: {  	v25 =	vld [tilespmem:s8+$0xC880]  }
0x153: {  	v26 =	vld [tilespmem:s8+$0xC890]  }
0x154: {  	v27 =	vld [tilespmem:s8+$0xC8A0]  }
0x155: {  	v28 =	vld [tilespmem:s8+$0xC8B0]  }
0x156: {  	v29 =	vld [tilespmem:s8+$0xC8C0]  }
0x157: {  	v30 =	vld [tilespmem:s8+$0xC8D0]  }
0x158: {  	v31 =	vld [tilespmem:s8+$0xC8E0]  }
0x159: {  	v32 =	vld [tilespmem:s8+$0xC8F0]  }
0x15a: {  	v33 =	vld [tilespmem:s8+$0xC900]  }
0x15b: {  	v34 =	vld [tilespmem:s8+$0xC910]  }
0x15c: {  	v35 =	vld [tilespmem:s8+$0xC920]  }
0x15d: {  	v36 =	vld [tilespmem:s8+$0xC930]  }
0x15e: {  	v37 =	vld [tilespmem:s8+$0xC940]  }
0x15f: {  	v38 =	vld [tilespmem:s8+$0xC950]  }
0x160: {  	v39 =	vld [tilespmem:s8+$0xC960]  }
0x161: {  	v40 =	vld [tilespmem:s8+$0xC970]  }
0x162: {  	v41 =	vld [tilespmem:s8+$0xC980]  }
0x163: {  	v42 =	vld [tilespmem:s8+$0xC990]  }
0x164: {  	v43 =	vld [tilespmem:s8+$0xC9A0]  }
0x165: {  	v44 =	vld [tilespmem:s8+$0xC9B0]  }
0x166: {  	v45 =	vld [tilespmem:s8+$0xC9C0]  }
0x167: {  	v46 =	vld [tilespmem:s8+$0xC9D0]  }
0x168: {  	v47 =	vld [tilespmem:s8+$0xC9E0]  }
0x169: {  	v48 =	vld [tilespmem:s8+$0xC9F0]  }
0x16a: {  	v49 =	vld [tilespmem:s8+$0xCA00]  }
0x16b: {  	v50 =	vld [tilespmem:s8+$0xCA10]  }
0x16c: {  	v51 =	vld [tilespmem:s8+$0xCA20]  }
0x16d: {  	v52 =	vld [tilespmem:s8+$0xCA30]  }
0x16e: {  	v53 =	vld [tilespmem:s8+$0xCA40]  }
0x16f: {  	v54 =	vld [tilespmem:s8+$0xCA50]  }
0x170: {  	v55 =	vld [tilespmem:s8+$0xCA60]  }
0x171: {  	v56 =	vld [tilespmem:s8+$0xCA70]  }
0x172: {  	v57 =	vld [tilespmem:s8+$0xCA80]  }
0x173: {  	v58 =	vld [tilespmem:s8+$0xCA90]  }
0x174: {  	v59 =	vld [tilespmem:s8+$0xCAA0]  }
0x175: {  	v60 =	vld [tilespmem:s8+$0xCAB0]  }
0x176: {  	v61 =	vld [tilespmem:s8+$0xCAC0]  }
0x177: {  	v62 =	vld [tilespmem:s8+$0xCAD0]  }
0x178: {  	[tilespmem:s8+$0xA2F0] =	vst.add.f32.msk $0xffff, v0  }
0x179: {  	v0 =	vld [tilespmem:s8+$0xCAE0]  }
0x17a: {  	[tilespmem:s8+$0x9F00] =	vst.add.f32.msk $0xffff, v1  }
0x17b: {  	[tilespmem:s8+$0x9F10] =	vst.add.f32.msk $0xffff, v2  }
0x17c: {  	[tilespmem:s8+$0x9F20] =	vst.add.f32.msk $0xffff, v3  }
0x17d: {  	[tilespmem:s8+$0x9F30] =	vst.add.f32.msk $0xffff, v4  }
0x17e: {  	[tilespmem:s8+$0x9F40] =	vst.add.f32.msk $0xffff, v5  }
0x17f: {  	[tilespmem:s8+$0x9F50] =	vst.add.f32.msk $0xffff, v6  }
0x180: {  	[tilespmem:s8+$0x9F60] =	vst.add.f32.msk $0xffff, v7  }
0x181: {  	[tilespmem:s8+$0x9F70] =	vst.add.f32.msk $0xffff, v8  }
0x182: {  	[tilespmem:s8+$0x9F80] =	vst.add.f32.msk $0xffff, v9  }
0x183: {  	[tilespmem:s8+$0x9F90] =	vst.add.f32.msk $0xffff, v10  }
0x184: {  	[tilespmem:s8+$0x9FA0] =	vst.add.f32.msk $0xffff, v11  }
0x185: {  	[tilespmem:s8+$0x9FB0] =	vst.add.f32.msk $0xffff, v12  }
0x186: {  	[tilespmem:s8+$0x9FC0] =	vst.add.f32.msk $0xffff, v13  }
0x187: {  	[tilespmem:s8+$0x9FD0] =	vst.add.f32.msk $0xffff, v14  }
0x188: {  	[tilespmem:s8+$0x9FE0] =	vst.add.f32.msk $0xffff, v15  }
0x189: {  	[tilespmem:s8+$0x9FF0] =	vst.add.f32.msk $0xffff, v16  }
0x18a: {  	[tilespmem:s8+$0xA000] =	vst.add.f32.msk $0xffff, v17  }
0x18b: {  	[tilespmem:s8+$0xA010] =	vst.add.f32.msk $0xffff, v18  }
0x18c: {  	[tilespmem:s8+$0xA020] =	vst.add.f32.msk $0xffff, v19  }
0x18d: {  	[tilespmem:s8+$0xA030] =	vst.add.f32.msk $0xffff, v20  }
0x18e: {  	[tilespmem:s8+$0xA040] =	vst.add.f32.msk $0xffff, v21  }
0x18f: {  	[tilespmem:s8+$0xA050] =	vst.add.f32.msk $0xffff, v22  }
0x190: {  	[tilespmem:s8+$0xA060] =	vst.add.f32.msk $0xffff, v23  }
0x191: {  	[tilespmem:s8+$0xA070] =	vst.add.f32.msk $0xffff, v24  }
0x192: {  	[tilespmem:s8+$0xA080] =	vst.add.f32.msk $0xffff, v25  }
0x193: {  	[tilespmem:s8+$0xA090] =	vst.add.f32.msk $0xffff, v26  }
0x194: {  	[tilespmem:s8+$0xA0A0] =	vst.add.f32.msk $0xffff, v27  }
0x195: {  	[tilespmem:s8+$0xA0B0] =	vst.add.f32.msk $0xffff, v28  }
0x196: {  	[tilespmem:s8+$0xA0C0] =	vst.add.f32.msk $0xffff, v29  }
0x197: {  	[tilespmem:s8+$0xA0D0] =	vst.add.f32.msk $0xffff, v30  }
0x198: {  	[tilespmem:s8+$0xA0E0] =	vst.add.f32.msk $0xffff, v31  }
0x199: {  	[tilespmem:s8+$0xA0F0] =	vst.add.f32.msk $0xffff, v32  }
0x19a: {  	[tilespmem:s8+$0xA100] =	vst.add.f32.msk $0xffff, v33  }
0x19b: {  	[tilespmem:s8+$0xA110] =	vst.add.f32.msk $0xffff, v34  }
0x19c: {  	[tilespmem:s8+$0xA120] =	vst.add.f32.msk $0xffff, v35  }
0x19d: {  	[tilespmem:s8+$0xA130] =	vst.add.f32.msk $0xffff, v36  }
0x19e: {  	[tilespmem:s8+$0xA140] =	vst.add.f32.msk $0xffff, v37  }
0x19f: {  	[tilespmem:s8+$0xA150] =	vst.add.f32.msk $0xffff, v38  }
0x1a0: {  	[tilespmem:s8+$0xA160] =	vst.add.f32.msk $0xffff, v39  }
0x1a1: {  	[tilespmem:s8+$0xA170] =	vst.add.f32.msk $0xffff, v40  }
0x1a2: {  	[tilespmem:s8+$0xA180] =	vst.add.f32.msk $0xffff, v41  }
0x1a3: {  	[tilespmem:s8+$0xA190] =	vst.add.f32.msk $0xffff, v42  }
0x1a4: {  	[tilespmem:s8+$0xA1A0] =	vst.add.f32.msk $0xffff, v43  }
0x1a5: {  	[tilespmem:s8+$0xA1B0] =	vst.add.f32.msk $0xffff, v44  }
0x1a6: {  	[tilespmem:s8+$0xA1C0] =	vst.add.f32.msk $0xffff, v45  }
0x1a7: {  	[tilespmem:s8+$0xA1D0] =	vst.add.f32.msk $0xffff, v46  }
0x1a8: {  	[tilespmem:s8+$0xA1E0] =	vst.add.f32.msk $0xffff, v47  }
0x1a9: {  	[tilespmem:s8+$0xA1F0] =	vst.add.f32.msk $0xffff, v48  }
0x1aa: {  	[tilespmem:s8+$0xA200] =	vst.add.f32.msk $0xffff, v49  }
0x1ab: {  	[tilespmem:s8+$0xA210] =	vst.add.f32.msk $0xffff, v50  }
0x1ac: {  	[tilespmem:s8+$0xA220] =	vst.add.f32.msk $0xffff, v51  }
0x1ad: {  	[tilespmem:s8+$0xA230] =	vst.add.f32.msk $0xffff, v52  }
0x1ae: {  	[tilespmem:s8+$0xA240] =	vst.add.f32.msk $0xffff, v53  }
0x1af: {  	[tilespmem:s8+$0xA250] =	vst.add.f32.msk $0xffff, v54  }
0x1b0: {  	[tilespmem:s8+$0xA260] =	vst.add.f32.msk $0xffff, v55  }
0x1b1: {  	[tilespmem:s8+$0xA270] =	vst.add.f32.msk $0xffff, v56  }
0x1b2: {  	[tilespmem:s8+$0xA280] =	vst.add.f32.msk $0xffff, v57  }
0x1b3: {  	[tilespmem:s8+$0xA290] =	vst.add.f32.msk $0xffff, v58  }
0x1b4: {  	[tilespmem:s8+$0xA2A0] =	vst.add.f32.msk $0xffff, v59  }
0x1b5: {  	[tilespmem:s8+$0xA2B0] =	vst.add.f32.msk $0xffff, v60  }
0x1b6: {  	[tilespmem:s8+$0xA2C0] =	vst.add.f32.msk $0xffff, v61  }
0x1b7: {  	s9 =	simm.s32 $0x0;
	s10 =	simm.s32 $0x1000;
	[tilespmem:s8+$0xA2D0] =	vst.add.f32.msk $0xffff, v62  }
.LBB2_5:
0x1b8: {  	s9 =	sadd.s32 $0x8, s9;
	[tilespmem:s8+$0xA2E0] =	vst.add.f32.msk $0xffff, v0;
	s8 =	sshra.s32 s10, $0x2  }
0x1b9: {  	v0 =	vld [tilespmem:s8+$0xCAF0];
	p0 =	slt.u32 s9, $0x48  }
0x1ba: {  	v1 =	vld [tilespmem:s8+$0xC700]  }
0x1bb: {  	v2 =	vld [tilespmem:s8+$0xC710]  }
0x1bc: {  	v3 =	vld [tilespmem:s8+$0xC720]  }
0x1bd: {  	v4 =	vld [tilespmem:s8+$0xC730]  }
0x1be: {  	[tilespmem:s8+$0xA2F0] =	vst.add.f32.msk $0xffff, v0  }
0x1bf: {  	v5 =	vld [tilespmem:s8+$0xC740]  }
0x1c0: {  	v6 =	vld [tilespmem:s8+$0xC750]  }
0x1c1: {  	v7 =	vld [tilespmem:s8+$0xC760]  }
0x1c2: {  	v8 =	vld [tilespmem:s8+$0xC770]  }
0x1c3: {  	v9 =	vld [tilespmem:s8+$0xC780]  }
0x1c4: {  	v10 =	vld [tilespmem:s8+$0xC790]  }
0x1c5: {  	v11 =	vld [tilespmem:s8+$0xC7A0]  }
0x1c6: {  	v12 =	vld [tilespmem:s8+$0xC7B0]  }
0x1c7: {  	v13 =	vld [tilespmem:s8+$0xC7C0]  }
0x1c8: {  	v14 =	vld [tilespmem:s8+$0xC7D0]  }
0x1c9: {  	v15 =	vld [tilespmem:s8+$0xC7E0]  }
0x1ca: {  	v16 =	vld [tilespmem:s8+$0xC7F0]  }
0x1cb: {  	v17 =	vld [tilespmem:s8+$0xC800]  }
0x1cc: {  	v18 =	vld [tilespmem:s8+$0xC810]  }
0x1cd: {  	v19 =	vld [tilespmem:s8+$0xC820]  }
0x1ce: {  	v20 =	vld [tilespmem:s8+$0xC830]  }
0x1cf: {  	v21 =	vld [tilespmem:s8+$0xC840]  }
0x1d0: {  	v22 =	vld [tilespmem:s8+$0xC850]  }
0x1d1: {  	v23 =	vld [tilespmem:s8+$0xC860]  }
0x1d2: {  	v24 =	vld [tilespmem:s8+$0xC870]  }
0x1d3: {  	v25 =	vld [tilespmem:s8+$0xC880]  }
0x1d4: {  	v26 =	vld [tilespmem:s8+$0xC890]  }
0x1d5: {  	v27 =	vld [tilespmem:s8+$0xC8A0]  }
0x1d6: {  	v28 =	vld [tilespmem:s8+$0xC8B0]  }
0x1d7: {  	v29 =	vld [tilespmem:s8+$0xC8C0]  }
0x1d8: {  	v30 =	vld [tilespmem:s8+$0xC8D0]  }
0x1d9: {  	v31 =	vld [tilespmem:s8+$0xC8E0]  }
0x1da: {  	v32 =	vld [tilespmem:s8+$0xC8F0]  }
0x1db: {  	v33 =	vld [tilespmem:s8+$0xC900]  }
0x1dc: {  	v34 =	vld [tilespmem:s8+$0xC910]  }
0x1dd: {  	v35 =	vld [tilespmem:s8+$0xC920]  }
0x1de: {  	v36 =	vld [tilespmem:s8+$0xC930]  }
0x1df: {  	v37 =	vld [tilespmem:s8+$0xC940]  }
0x1e0: {  	v38 =	vld [tilespmem:s8+$0xC950]  }
0x1e1: {  	v39 =	vld [tilespmem:s8+$0xC960]  }
0x1e2: {  	v40 =	vld [tilespmem:s8+$0xC970]  }
0x1e3: {  	v41 =	vld [tilespmem:s8+$0xC980]  }
0x1e4: {  	v42 =	vld [tilespmem:s8+$0xC990]  }
0x1e5: {  	v43 =	vld [tilespmem:s8+$0xC9A0]  }
0x1e6: {  	v44 =	vld [tilespmem:s8+$0xC9B0]  }
0x1e7: {  	v45 =	vld [tilespmem:s8+$0xC9C0]  }
0x1e8: {  	v46 =	vld [tilespmem:s8+$0xC9D0]  }
0x1e9: {  	v47 =	vld [tilespmem:s8+$0xC9E0]  }
0x1ea: {  	v48 =	vld [tilespmem:s8+$0xC9F0]  }
0x1eb: {  	v49 =	vld [tilespmem:s8+$0xCA00]  }
0x1ec: {  	v50 =	vld [tilespmem:s8+$0xCA10]  }
0x1ed: {  	v51 =	vld [tilespmem:s8+$0xCA20]  }
0x1ee: {  	v52 =	vld [tilespmem:s8+$0xCA30]  }
0x1ef: {  	v53 =	vld [tilespmem:s8+$0xCA40]  }
0x1f0: {  	v54 =	vld [tilespmem:s8+$0xCA50]  }
0x1f1: {  	v55 =	vld [tilespmem:s8+$0xCA60]  }
0x1f2: {  	v56 =	vld [tilespmem:s8+$0xCA70]  }
0x1f3: {  	v57 =	vld [tilespmem:s8+$0xCA80]  }
0x1f4: {  	v58 =	vld [tilespmem:s8+$0xCA90]  }
0x1f5: {  	v59 =	vld [tilespmem:s8+$0xCAA0]  }
0x1f6: {  	v60 =	vld [tilespmem:s8+$0xCAB0]  }
0x1f7: {  	v61 =	vld [tilespmem:s8+$0xCAC0]  }
0x1f8: {  	v62 =	vld [tilespmem:s8+$0xCAD0]  }
0x1f9: {  	v0 =	vld [tilespmem:s8+$0xCAE0]  }
0x1fa: {  	[tilespmem:s8+$0x9F00] =	vst.add.f32.msk $0xffff, v1  }
0x1fb: {  	[tilespmem:s8+$0x9F10] =	vst.add.f32.msk $0xffff, v2  }
0x1fc: {  	[tilespmem:s8+$0x9F20] =	vst.add.f32.msk $0xffff, v3  }
0x1fd: {  	[tilespmem:s8+$0x9F30] =	vst.add.f32.msk $0xffff, v4  }
0x1fe: {  	[tilespmem:s8+$0x9F40] =	vst.add.f32.msk $0xffff, v5  }
0x1ff: {  	[tilespmem:s8+$0x9F50] =	vst.add.f32.msk $0xffff, v6  }
0x200: {  	[tilespmem:s8+$0x9F60] =	vst.add.f32.msk $0xffff, v7  }
0x201: {  	[tilespmem:s8+$0x9F70] =	vst.add.f32.msk $0xffff, v8  }
0x202: {  	[tilespmem:s8+$0x9F80] =	vst.add.f32.msk $0xffff, v9  }
0x203: {  	[tilespmem:s8+$0x9F90] =	vst.add.f32.msk $0xffff, v10  }
0x204: {  	[tilespmem:s8+$0x9FA0] =	vst.add.f32.msk $0xffff, v11  }
0x205: {  	[tilespmem:s8+$0x9FB0] =	vst.add.f32.msk $0xffff, v12  }
0x206: {  	[tilespmem:s8+$0x9FC0] =	vst.add.f32.msk $0xffff, v13  }
0x207: {  	[tilespmem:s8+$0x9FD0] =	vst.add.f32.msk $0xffff, v14  }
0x208: {  	[tilespmem:s8+$0x9FE0] =	vst.add.f32.msk $0xffff, v15  }
0x209: {  	[tilespmem:s8+$0x9FF0] =	vst.add.f32.msk $0xffff, v16  }
0x20a: {  	[tilespmem:s8+$0xA000] =	vst.add.f32.msk $0xffff, v17  }
0x20b: {  	[tilespmem:s8+$0xA010] =	vst.add.f32.msk $0xffff, v18  }
0x20c: {  	[tilespmem:s8+$0xA020] =	vst.add.f32.msk $0xffff, v19  }
0x20d: {  	[tilespmem:s8+$0xA030] =	vst.add.f32.msk $0xffff, v20  }
0x20e: {  	[tilespmem:s8+$0xA040] =	vst.add.f32.msk $0xffff, v21  }
0x20f: {  	[tilespmem:s8+$0xA050] =	vst.add.f32.msk $0xffff, v22  }
0x210: {  	[tilespmem:s8+$0xA060] =	vst.add.f32.msk $0xffff, v23  }
0x211: {  	[tilespmem:s8+$0xA070] =	vst.add.f32.msk $0xffff, v24  }
0x212: {  	[tilespmem:s8+$0xA080] =	vst.add.f32.msk $0xffff, v25  }
0x213: {  	[tilespmem:s8+$0xA090] =	vst.add.f32.msk $0xffff, v26  }
0x214: {  	[tilespmem:s8+$0xA0A0] =	vst.add.f32.msk $0xffff, v27  }
0x215: {  	[tilespmem:s8+$0xA0B0] =	vst.add.f32.msk $0xffff, v28  }
0x216: {  	[tilespmem:s8+$0xA0C0] =	vst.add.f32.msk $0xffff, v29  }
0x217: {  	[tilespmem:s8+$0xA0D0] =	vst.add.f32.msk $0xffff, v30  }
0x218: {  	[tilespmem:s8+$0xA0E0] =	vst.add.f32.msk $0xffff, v31  }
0x219: {  	[tilespmem:s8+$0xA0F0] =	vst.add.f32.msk $0xffff, v32  }
0x21a: {  	[tilespmem:s8+$0xA100] =	vst.add.f32.msk $0xffff, v33  }
0x21b: {  	[tilespmem:s8+$0xA110] =	vst.add.f32.msk $0xffff, v34  }
0x21c: {  	[tilespmem:s8+$0xA120] =	vst.add.f32.msk $0xffff, v35  }
0x21d: {  	[tilespmem:s8+$0xA130] =	vst.add.f32.msk $0xffff, v36  }
0x21e: {  	[tilespmem:s8+$0xA140] =	vst.add.f32.msk $0xffff, v37  }
0x21f: {  	[tilespmem:s8+$0xA150] =	vst.add.f32.msk $0xffff, v38  }
0x220: {  	[tilespmem:s8+$0xA160] =	vst.add.f32.msk $0xffff, v39  }
0x221: {  	[tilespmem:s8+$0xA170] =	vst.add.f32.msk $0xffff, v40  }
0x222: {  	[tilespmem:s8+$0xA180] =	vst.add.f32.msk $0xffff, v41  }
0x223: {  	[tilespmem:s8+$0xA190] =	vst.add.f32.msk $0xffff, v42  }
0x224: {  	[tilespmem:s8+$0xA1A0] =	vst.add.f32.msk $0xffff, v43  }
0x225: {  	[tilespmem:s8+$0xA1B0] =	vst.add.f32.msk $0xffff, v44  }
0x226: {  	[tilespmem:s8+$0xA1C0] =	vst.add.f32.msk $0xffff, v45  }
0x227: {  	[tilespmem:s8+$0xA1D0] =	vst.add.f32.msk $0xffff, v46  }
0x228: {  	[tilespmem:s8+$0xA1E0] =	vst.add.f32.msk $0xffff, v47  }
0x229: {  	[tilespmem:s8+$0xA1F0] =	vst.add.f32.msk $0xffff, v48  }
0x22a: {  	[tilespmem:s8+$0xA200] =	vst.add.f32.msk $0xffff, v49  }
0x22b: {  	[tilespmem:s8+$0xA210] =	vst.add.f32.msk $0xffff, v50  }
0x22c: {  	[tilespmem:s8+$0xA220] =	vst.add.f32.msk $0xffff, v51  }
0x22d: {  	[tilespmem:s8+$0xA230] =	vst.add.f32.msk $0xffff, v52  }
0x22e: {  	[tilespmem:s8+$0xA240] =	vst.add.f32.msk $0xffff, v53  }
0x22f: {  	[tilespmem:s8+$0xA250] =	vst.add.f32.msk $0xffff, v54  }
0x230: {  	[tilespmem:s8+$0xA260] =	vst.add.f32.msk $0xffff, v55  }
0x231: {  	[tilespmem:s8+$0xA270] =	vst.add.f32.msk $0xffff, v56  }
0x232: {  	[tilespmem:s8+$0xA280] =	vst.add.f32.msk $0xffff, v57  }
.Ltmp1:
0x233: {  	[tilespmem:s8+$0xA290] =	vst.add.f32.msk $0xffff, v58;
	(pc) =	sbr.rel @p0 .LBB2_5-.Ltmp1, $4  }
0x234: {  	[tilespmem:s8+$0xA2A0] =	vst.add.f32.msk $0xffff, v59  }
0x235: {  	[tilespmem:s8+$0xA2B0] =	vst.add.f32.msk $0xffff, v60  }
0x236: {  	[tilespmem:s8+$0xA2C0] =	vst.add.f32.msk $0xffff, v61  }
0x237: {  	s10 =	sadd.s32 $0x1000, s10;
	[tilespmem:s8+$0xA2D0] =	vst.add.f32.msk $0xffff, v62  }
0x238: {  	s9 =	sadd.s32 s12, s14  }
0x239: {  	s9 =	sshll.u32 s9, $0x4  }
0x23a: {  	[tilespmem:s8+$0xA2E0] =	vst.add.f32.msk $0xffff, v0;
	s10 =	simm.s32 $0x0;
	s9 =	sadd.s32 s6, s9  }
0x23b: {  	[hbm4b:s9+s10] =	stream.linear.scatter [tilespmem:s18], [sflag:$0x8], $0x2800, $0x38;
	[tilespmem:$0x13F00] =	vst v63  }
0x23c: {  	_ =	swait.ge [sflag:s28], $0x2800  }
0x23d: {  	[sflag:s28] =	ssyncset.done $0x0  }
0x23e: {  	s9 =	sadd.s32 $0xF0, s14;
	[sflag:s28] =	ssyncadd.s32 $0xFFFFD800  }
0x23f: {  	[tilespmem:s16], [sflag:$0x1] =	stream.indirect.gather [hbm4b:s2+s15], $0x80, s9, s15, $0xb8;
	[tilespmem:$0x13F00] =	vst v63  }
0x240: {  	s10 =	sadd.s32 $0x2870, s14  }
0x241: {  	[tilespmem:s17], [sflag:$0x2] =	stream.indirect.gather [hbm4b:s5+s15], $0x80, s10, s15, $0xb8;
	[tilespmem:$0x13F00] =	vst v63  }
0x242: {  	_ =	swait.ge [sflag:s29], $0x2800  }
0x243: {  	[sflag:s29] =	ssyncset.done $0x0  }
0x244: {  	[sflag:s29] =	ssyncadd.s32 $0xFFFFD800  }
0x245: {  	_ =	swait.ge [sflag:s30], $0x2800  }
0x246: {  	[sflag:s30] =	ssyncset.done $0x0  }
0x247: {  	s8 =	simm.s32 $0x0;
	[sflag:s30] =	ssyncadd.s32 $0xFFFFD800  }
0x248: {  	v0 =	vld [tilespmem:s8+$0x11AF0]  }
0x249: {  	v1 =	vld [tilespmem:s8+$0x11700]  }
0x24a: {  	v2 =	vld [tilespmem:s8+$0x11710]  }
0x24b: {  	v3 =	vld [tilespmem:s8+$0x11720]  }
0x24c: {  	v4 =	vld [tilespmem:s8+$0x11730]  }
0x24d: {  	v5 =	vld [tilespmem:s8+$0x11740]  }
0x24e: {  	v6 =	vld [tilespmem:s8+$0x11750]  }
0x24f: {  	v7 =	vld [tilespmem:s8+$0x11760]  }
0x250: {  	v8 =	vld [tilespmem:s8+$0x11770]  }
0x251: {  	v9 =	vld [tilespmem:s8+$0x11780]  }
0x252: {  	v10 =	vld [tilespmem:s8+$0x11790]  }
0x253: {  	v11 =	vld [tilespmem:s8+$0x117A0]  }
0x254: {  	v12 =	vld [tilespmem:s8+$0x117B0]  }
0x255: {  	v13 =	vld [tilespmem:s8+$0x117C0]  }
0x256: {  	v14 =	vld [tilespmem:s8+$0x117D0]  }
0x257: {  	v15 =	vld [tilespmem:s8+$0x117E0]  }
0x258: {  	v16 =	vld [tilespmem:s8+$0x117F0]  }
0x259: {  	v17 =	vld [tilespmem:s8+$0x11800]  }
0x25a: {  	v18 =	vld [tilespmem:s8+$0x11810]  }
0x25b: {  	v19 =	vld [tilespmem:s8+$0x11820]  }
0x25c: {  	v20 =	vld [tilespmem:s8+$0x11830]  }
0x25d: {  	v21 =	vld [tilespmem:s8+$0x11840]  }
0x25e: {  	v22 =	vld [tilespmem:s8+$0x11850]  }
0x25f: {  	v23 =	vld [tilespmem:s8+$0x11860]  }
0x260: {  	v24 =	vld [tilespmem:s8+$0x11870]  }
0x261: {  	v25 =	vld [tilespmem:s8+$0x11880]  }
0x262: {  	v26 =	vld [tilespmem:s8+$0x11890]  }
0x263: {  	v27 =	vld [tilespmem:s8+$0x118A0]  }
0x264: {  	v28 =	vld [tilespmem:s8+$0x118B0]  }
0x265: {  	v29 =	vld [tilespmem:s8+$0x118C0]  }
0x266: {  	v30 =	vld [tilespmem:s8+$0x118D0]  }
0x267: {  	v31 =	vld [tilespmem:s8+$0x118E0]  }
0x268: {  	v32 =	vld [tilespmem:s8+$0x118F0]  }
0x269: {  	v33 =	vld [tilespmem:s8+$0x11900]  }
0x26a: {  	v34 =	vld [tilespmem:s8+$0x11910]  }
0x26b: {  	v35 =	vld [tilespmem:s8+$0x11920]  }
0x26c: {  	v36 =	vld [tilespmem:s8+$0x11930]  }
0x26d: {  	v37 =	vld [tilespmem:s8+$0x11940]  }
0x26e: {  	v38 =	vld [tilespmem:s8+$0x11950]  }
0x26f: {  	v39 =	vld [tilespmem:s8+$0x11960]  }
0x270: {  	v40 =	vld [tilespmem:s8+$0x11970]  }
0x271: {  	v41 =	vld [tilespmem:s8+$0x11980]  }
0x272: {  	v42 =	vld [tilespmem:s8+$0x11990]  }
0x273: {  	v43 =	vld [tilespmem:s8+$0x119A0]  }
0x274: {  	v44 =	vld [tilespmem:s8+$0x119B0]  }
0x275: {  	v45 =	vld [tilespmem:s8+$0x119C0]  }
0x276: {  	v46 =	vld [tilespmem:s8+$0x119D0]  }
0x277: {  	v47 =	vld [tilespmem:s8+$0x119E0]  }
0x278: {  	v48 =	vld [tilespmem:s8+$0x119F0]  }
0x279: {  	v49 =	vld [tilespmem:s8+$0x11A00]  }
0x27a: {  	v50 =	vld [tilespmem:s8+$0x11A10]  }
0x27b: {  	v51 =	vld [tilespmem:s8+$0x11A20]  }
0x27c: {  	v52 =	vld [tilespmem:s8+$0x11A30]  }
0x27d: {  	v53 =	vld [tilespmem:s8+$0x11A40]  }
0x27e: {  	v54 =	vld [tilespmem:s8+$0x11A50]  }
0x27f: {  	v55 =	vld [tilespmem:s8+$0x11A60]  }
0x280: {  	v56 =	vld [tilespmem:s8+$0x11A70]  }
0x281: {  	v57 =	vld [tilespmem:s8+$0x11A80]  }
0x282: {  	v58 =	vld [tilespmem:s8+$0x11A90]  }
0x283: {  	v59 =	vld [tilespmem:s8+$0x11AA0]  }
0x284: {  	v60 =	vld [tilespmem:s8+$0x11AB0]  }
0x285: {  	v61 =	vld [tilespmem:s8+$0x11AC0]  }
0x286: {  	v62 =	vld [tilespmem:s8+$0x11AD0]  }
0x287: {  	[tilespmem:s8+$0xF2F0] =	vst.add.f32.msk $0xffff, v0  }
0x288: {  	v0 =	vld [tilespmem:s8+$0x11AE0]  }
0x289: {  	[tilespmem:s8+$0xEF00] =	vst.add.f32.msk $0xffff, v1  }
0x28a: {  	[tilespmem:s8+$0xEF10] =	vst.add.f32.msk $0xffff, v2  }
0x28b: {  	[tilespmem:s8+$0xEF20] =	vst.add.f32.msk $0xffff, v3  }
0x28c: {  	[tilespmem:s8+$0xEF30] =	vst.add.f32.msk $0xffff, v4  }
0x28d: {  	[tilespmem:s8+$0xEF40] =	vst.add.f32.msk $0xffff, v5  }
0x28e: {  	[tilespmem:s8+$0xEF50] =	vst.add.f32.msk $0xffff, v6  }
0x28f: {  	[tilespmem:s8+$0xEF60] =	vst.add.f32.msk $0xffff, v7  }
0x290: {  	[tilespmem:s8+$0xEF70] =	vst.add.f32.msk $0xffff, v8  }
0x291: {  	[tilespmem:s8+$0xEF80] =	vst.add.f32.msk $0xffff, v9  }
0x292: {  	[tilespmem:s8+$0xEF90] =	vst.add.f32.msk $0xffff, v10  }
0x293: {  	[tilespmem:s8+$0xEFA0] =	vst.add.f32.msk $0xffff, v11  }
0x294: {  	[tilespmem:s8+$0xEFB0] =	vst.add.f32.msk $0xffff, v12  }
0x295: {  	[tilespmem:s8+$0xEFC0] =	vst.add.f32.msk $0xffff, v13  }
0x296: {  	[tilespmem:s8+$0xEFD0] =	vst.add.f32.msk $0xffff, v14  }
0x297: {  	[tilespmem:s8+$0xEFE0] =	vst.add.f32.msk $0xffff, v15  }
0x298: {  	[tilespmem:s8+$0xEFF0] =	vst.add.f32.msk $0xffff, v16  }
0x299: {  	[tilespmem:s8+$0xF000] =	vst.add.f32.msk $0xffff, v17  }
0x29a: {  	[tilespmem:s8+$0xF010] =	vst.add.f32.msk $0xffff, v18  }
0x29b: {  	[tilespmem:s8+$0xF020] =	vst.add.f32.msk $0xffff, v19  }
0x29c: {  	[tilespmem:s8+$0xF030] =	vst.add.f32.msk $0xffff, v20  }
0x29d: {  	[tilespmem:s8+$0xF040] =	vst.add.f32.msk $0xffff, v21  }
0x29e: {  	[tilespmem:s8+$0xF050] =	vst.add.f32.msk $0xffff, v22  }
0x29f: {  	[tilespmem:s8+$0xF060] =	vst.add.f32.msk $0xffff, v23  }
0x2a0: {  	[tilespmem:s8+$0xF070] =	vst.add.f32.msk $0xffff, v24  }
0x2a1: {  	[tilespmem:s8+$0xF080] =	vst.add.f32.msk $0xffff, v25  }
0x2a2: {  	[tilespmem:s8+$0xF090] =	vst.add.f32.msk $0xffff, v26  }
0x2a3: {  	[tilespmem:s8+$0xF0A0] =	vst.add.f32.msk $0xffff, v27  }
0x2a4: {  	[tilespmem:s8+$0xF0B0] =	vst.add.f32.msk $0xffff, v28  }
0x2a5: {  	[tilespmem:s8+$0xF0C0] =	vst.add.f32.msk $0xffff, v29  }
0x2a6: {  	[tilespmem:s8+$0xF0D0] =	vst.add.f32.msk $0xffff, v30  }
0x2a7: {  	[tilespmem:s8+$0xF0E0] =	vst.add.f32.msk $0xffff, v31  }
0x2a8: {  	[tilespmem:s8+$0xF0F0] =	vst.add.f32.msk $0xffff, v32  }
0x2a9: {  	[tilespmem:s8+$0xF100] =	vst.add.f32.msk $0xffff, v33  }
0x2aa: {  	[tilespmem:s8+$0xF110] =	vst.add.f32.msk $0xffff, v34  }
0x2ab: {  	[tilespmem:s8+$0xF120] =	vst.add.f32.msk $0xffff, v35  }
0x2ac: {  	[tilespmem:s8+$0xF130] =	vst.add.f32.msk $0xffff, v36  }
0x2ad: {  	[tilespmem:s8+$0xF140] =	vst.add.f32.msk $0xffff, v37  }
0x2ae: {  	[tilespmem:s8+$0xF150] =	vst.add.f32.msk $0xffff, v38  }
0x2af: {  	[tilespmem:s8+$0xF160] =	vst.add.f32.msk $0xffff, v39  }
0x2b0: {  	[tilespmem:s8+$0xF170] =	vst.add.f32.msk $0xffff, v40  }
0x2b1: {  	[tilespmem:s8+$0xF180] =	vst.add.f32.msk $0xffff, v41  }
0x2b2: {  	[tilespmem:s8+$0xF190] =	vst.add.f32.msk $0xffff, v42  }
0x2b3: {  	[tilespmem:s8+$0xF1A0] =	vst.add.f32.msk $0xffff, v43  }
0x2b4: {  	[tilespmem:s8+$0xF1B0] =	vst.add.f32.msk $0xffff, v44  }
0x2b5: {  	[tilespmem:s8+$0xF1C0] =	vst.add.f32.msk $0xffff, v45  }
0x2b6: {  	[tilespmem:s8+$0xF1D0] =	vst.add.f32.msk $0xffff, v46  }
0x2b7: {  	[tilespmem:s8+$0xF1E0] =	vst.add.f32.msk $0xffff, v47  }
0x2b8: {  	[tilespmem:s8+$0xF1F0] =	vst.add.f32.msk $0xffff, v48  }
0x2b9: {  	[tilespmem:s8+$0xF200] =	vst.add.f32.msk $0xffff, v49  }
0x2ba: {  	[tilespmem:s8+$0xF210] =	vst.add.f32.msk $0xffff, v50  }
0x2bb: {  	[tilespmem:s8+$0xF220] =	vst.add.f32.msk $0xffff, v51  }
0x2bc: {  	[tilespmem:s8+$0xF230] =	vst.add.f32.msk $0xffff, v52  }
0x2bd: {  	[tilespmem:s8+$0xF240] =	vst.add.f32.msk $0xffff, v53  }
0x2be: {  	[tilespmem:s8+$0xF250] =	vst.add.f32.msk $0xffff, v54  }
0x2bf: {  	[tilespmem:s8+$0xF260] =	vst.add.f32.msk $0xffff, v55  }
0x2c0: {  	[tilespmem:s8+$0xF270] =	vst.add.f32.msk $0xffff, v56  }
0x2c1: {  	[tilespmem:s8+$0xF280] =	vst.add.f32.msk $0xffff, v57  }
0x2c2: {  	[tilespmem:s8+$0xF290] =	vst.add.f32.msk $0xffff, v58  }
0x2c3: {  	[tilespmem:s8+$0xF2A0] =	vst.add.f32.msk $0xffff, v59  }
0x2c4: {  	[tilespmem:s8+$0xF2B0] =	vst.add.f32.msk $0xffff, v60  }
0x2c5: {  	[tilespmem:s8+$0xF2C0] =	vst.add.f32.msk $0xffff, v61  }
0x2c6: {  	s9 =	simm.s32 $0x0;
	s10 =	simm.s32 $0x1000;
	[tilespmem:s8+$0xF2D0] =	vst.add.f32.msk $0xffff, v62  }
.LBB2_7:
0x2c7: {  	s9 =	sadd.s32 $0x8, s9;
	[tilespmem:s8+$0xF2E0] =	vst.add.f32.msk $0xffff, v0;
	s8 =	sshra.s32 s10, $0x2  }
0x2c8: {  	v0 =	vld [tilespmem:s8+$0x11AF0];
	p0 =	slt.u32 s9, $0x48  }
0x2c9: {  	v1 =	vld [tilespmem:s8+$0x11700]  }
0x2ca: {  	v2 =	vld [tilespmem:s8+$0x11710]  }
0x2cb: {  	v3 =	vld [tilespmem:s8+$0x11720]  }
0x2cc: {  	v4 =	vld [tilespmem:s8+$0x11730]  }
0x2cd: {  	[tilespmem:s8+$0xF2F0] =	vst.add.f32.msk $0xffff, v0  }
0x2ce: {  	v5 =	vld [tilespmem:s8+$0x11740]  }
0x2cf: {  	v6 =	vld [tilespmem:s8+$0x11750]  }
0x2d0: {  	v7 =	vld [tilespmem:s8+$0x11760]  }
0x2d1: {  	v8 =	vld [tilespmem:s8+$0x11770]  }
0x2d2: {  	v9 =	vld [tilespmem:s8+$0x11780]  }
0x2d3: {  	v10 =	vld [tilespmem:s8+$0x11790]  }
0x2d4: {  	v11 =	vld [tilespmem:s8+$0x117A0]  }
0x2d5: {  	v12 =	vld [tilespmem:s8+$0x117B0]  }
0x2d6: {  	v13 =	vld [tilespmem:s8+$0x117C0]  }
0x2d7: {  	v14 =	vld [tilespmem:s8+$0x117D0]  }
0x2d8: {  	v15 =	vld [tilespmem:s8+$0x117E0]  }
0x2d9: {  	v16 =	vld [tilespmem:s8+$0x117F0]  }
0x2da: {  	v17 =	vld [tilespmem:s8+$0x11800]  }
0x2db: {  	v18 =	vld [tilespmem:s8+$0x11810]  }
0x2dc: {  	v19 =	vld [tilespmem:s8+$0x11820]  }
0x2dd: {  	v20 =	vld [tilespmem:s8+$0x11830]  }
0x2de: {  	v21 =	vld [tilespmem:s8+$0x11840]  }
0x2df: {  	v22 =	vld [tilespmem:s8+$0x11850]  }
0x2e0: {  	v23 =	vld [tilespmem:s8+$0x11860]  }
0x2e1: {  	v24 =	vld [tilespmem:s8+$0x11870]  }
0x2e2: {  	v25 =	vld [tilespmem:s8+$0x11880]  }
0x2e3: {  	v26 =	vld [tilespmem:s8+$0x11890]  }
0x2e4: {  	v27 =	vld [tilespmem:s8+$0x118A0]  }
0x2e5: {  	v28 =	vld [tilespmem:s8+$0x118B0]  }
0x2e6: {  	v29 =	vld [tilespmem:s8+$0x118C0]  }
0x2e7: {  	v30 =	vld [tilespmem:s8+$0x118D0]  }
0x2e8: {  	v31 =	vld [tilespmem:s8+$0x118E0]  }
0x2e9: {  	v32 =	vld [tilespmem:s8+$0x118F0]  }
0x2ea: {  	v33 =	vld [tilespmem:s8+$0x11900]  }
0x2eb: {  	v34 =	vld [tilespmem:s8+$0x11910]  }
0x2ec: {  	v35 =	vld [tilespmem:s8+$0x11920]  }
0x2ed: {  	v36 =	vld [tilespmem:s8+$0x11930]  }
0x2ee: {  	v37 =	vld [tilespmem:s8+$0x11940]  }
0x2ef: {  	v38 =	vld [tilespmem:s8+$0x11950]  }
0x2f0: {  	v39 =	vld [tilespmem:s8+$0x11960]  }
0x2f1: {  	v40 =	vld [tilespmem:s8+$0x11970]  }
0x2f2: {  	v41 =	vld [tilespmem:s8+$0x11980]  }
0x2f3: {  	v42 =	vld [tilespmem:s8+$0x11990]  }
0x2f4: {  	v43 =	vld [tilespmem:s8+$0x119A0]  }
0x2f5: {  	v44 =	vld [tilespmem:s8+$0x119B0]  }
0x2f6: {  	v45 =	vld [tilespmem:s8+$0x119C0]  }
0x2f7: {  	v46 =	vld [tilespmem:s8+$0x119D0]  }
0x2f8: {  	v47 =	vld [tilespmem:s8+$0x119E0]  }
0x2f9: {  	v48 =	vld [tilespmem:s8+$0x119F0]  }
0x2fa: {  	v49 =	vld [tilespmem:s8+$0x11A00]  }
0x2fb: {  	v50 =	vld [tilespmem:s8+$0x11A10]  }
0x2fc: {  	v51 =	vld [tilespmem:s8+$0x11A20]  }
0x2fd: {  	v52 =	vld [tilespmem:s8+$0x11A30]  }
0x2fe: {  	v53 =	vld [tilespmem:s8+$0x11A40]  }
0x2ff: {  	v54 =	vld [tilespmem:s8+$0x11A50]  }
0x300: {  	v55 =	vld [tilespmem:s8+$0x11A60]  }
0x301: {  	v56 =	vld [tilespmem:s8+$0x11A70]  }
0x302: {  	v57 =	vld [tilespmem:s8+$0x11A80]  }
0x303: {  	v58 =	vld [tilespmem:s8+$0x11A90]  }
0x304: {  	v59 =	vld [tilespmem:s8+$0x11AA0]  }
0x305: {  	v60 =	vld [tilespmem:s8+$0x11AB0]  }
0x306: {  	v61 =	vld [tilespmem:s8+$0x11AC0]  }
0x307: {  	v62 =	vld [tilespmem:s8+$0x11AD0]  }
0x308: {  	v0 =	vld [tilespmem:s8+$0x11AE0]  }
0x309: {  	[tilespmem:s8+$0xEF00] =	vst.add.f32.msk $0xffff, v1  }
0x30a: {  	[tilespmem:s8+$0xEF10] =	vst.add.f32.msk $0xffff, v2  }
0x30b: {  	[tilespmem:s8+$0xEF20] =	vst.add.f32.msk $0xffff, v3  }
0x30c: {  	[tilespmem:s8+$0xEF30] =	vst.add.f32.msk $0xffff, v4  }
0x30d: {  	[tilespmem:s8+$0xEF40] =	vst.add.f32.msk $0xffff, v5  }
0x30e: {  	[tilespmem:s8+$0xEF50] =	vst.add.f32.msk $0xffff, v6  }
0x30f: {  	[tilespmem:s8+$0xEF60] =	vst.add.f32.msk $0xffff, v7  }
0x310: {  	[tilespmem:s8+$0xEF70] =	vst.add.f32.msk $0xffff, v8  }
0x311: {  	[tilespmem:s8+$0xEF80] =	vst.add.f32.msk $0xffff, v9  }
0x312: {  	[tilespmem:s8+$0xEF90] =	vst.add.f32.msk $0xffff, v10  }
0x313: {  	[tilespmem:s8+$0xEFA0] =	vst.add.f32.msk $0xffff, v11  }
0x314: {  	[tilespmem:s8+$0xEFB0] =	vst.add.f32.msk $0xffff, v12  }
0x315: {  	[tilespmem:s8+$0xEFC0] =	vst.add.f32.msk $0xffff, v13  }
0x316: {  	[tilespmem:s8+$0xEFD0] =	vst.add.f32.msk $0xffff, v14  }
0x317: {  	[tilespmem:s8+$0xEFE0] =	vst.add.f32.msk $0xffff, v15  }
0x318: {  	[tilespmem:s8+$0xEFF0] =	vst.add.f32.msk $0xffff, v16  }
0x319: {  	[tilespmem:s8+$0xF000] =	vst.add.f32.msk $0xffff, v17  }
0x31a: {  	[tilespmem:s8+$0xF010] =	vst.add.f32.msk $0xffff, v18  }
0x31b: {  	[tilespmem:s8+$0xF020] =	vst.add.f32.msk $0xffff, v19  }
0x31c: {  	[tilespmem:s8+$0xF030] =	vst.add.f32.msk $0xffff, v20  }
0x31d: {  	[tilespmem:s8+$0xF040] =	vst.add.f32.msk $0xffff, v21  }
0x31e: {  	[tilespmem:s8+$0xF050] =	vst.add.f32.msk $0xffff, v22  }
0x31f: {  	[tilespmem:s8+$0xF060] =	vst.add.f32.msk $0xffff, v23  }
0x320: {  	[tilespmem:s8+$0xF070] =	vst.add.f32.msk $0xffff, v24  }
0x321: {  	[tilespmem:s8+$0xF080] =	vst.add.f32.msk $0xffff, v25  }
0x322: {  	[tilespmem:s8+$0xF090] =	vst.add.f32.msk $0xffff, v26  }
0x323: {  	[tilespmem:s8+$0xF0A0] =	vst.add.f32.msk $0xffff, v27  }
0x324: {  	[tilespmem:s8+$0xF0B0] =	vst.add.f32.msk $0xffff, v28  }
0x325: {  	[tilespmem:s8+$0xF0C0] =	vst.add.f32.msk $0xffff, v29  }
0x326: {  	[tilespmem:s8+$0xF0D0] =	vst.add.f32.msk $0xffff, v30  }
0x327: {  	[tilespmem:s8+$0xF0E0] =	vst.add.f32.msk $0xffff, v31  }
0x328: {  	[tilespmem:s8+$0xF0F0] =	vst.add.f32.msk $0xffff, v32  }
0x329: {  	[tilespmem:s8+$0xF100] =	vst.add.f32.msk $0xffff, v33  }
0x32a: {  	[tilespmem:s8+$0xF110] =	vst.add.f32.msk $0xffff, v34  }
0x32b: {  	[tilespmem:s8+$0xF120] =	vst.add.f32.msk $0xffff, v35  }
0x32c: {  	[tilespmem:s8+$0xF130] =	vst.add.f32.msk $0xffff, v36  }
0x32d: {  	[tilespmem:s8+$0xF140] =	vst.add.f32.msk $0xffff, v37  }
0x32e: {  	[tilespmem:s8+$0xF150] =	vst.add.f32.msk $0xffff, v38  }
0x32f: {  	[tilespmem:s8+$0xF160] =	vst.add.f32.msk $0xffff, v39  }
0x330: {  	[tilespmem:s8+$0xF170] =	vst.add.f32.msk $0xffff, v40  }
0x331: {  	[tilespmem:s8+$0xF180] =	vst.add.f32.msk $0xffff, v41  }
0x332: {  	[tilespmem:s8+$0xF190] =	vst.add.f32.msk $0xffff, v42  }
0x333: {  	[tilespmem:s8+$0xF1A0] =	vst.add.f32.msk $0xffff, v43  }
0x334: {  	[tilespmem:s8+$0xF1B0] =	vst.add.f32.msk $0xffff, v44  }
0x335: {  	[tilespmem:s8+$0xF1C0] =	vst.add.f32.msk $0xffff, v45  }
0x336: {  	[tilespmem:s8+$0xF1D0] =	vst.add.f32.msk $0xffff, v46  }
0x337: {  	[tilespmem:s8+$0xF1E0] =	vst.add.f32.msk $0xffff, v47  }
0x338: {  	[tilespmem:s8+$0xF1F0] =	vst.add.f32.msk $0xffff, v48  }
0x339: {  	[tilespmem:s8+$0xF200] =	vst.add.f32.msk $0xffff, v49  }
0x33a: {  	[tilespmem:s8+$0xF210] =	vst.add.f32.msk $0xffff, v50  }
0x33b: {  	[tilespmem:s8+$0xF220] =	vst.add.f32.msk $0xffff, v51  }
0x33c: {  	[tilespmem:s8+$0xF230] =	vst.add.f32.msk $0xffff, v52  }
0x33d: {  	[tilespmem:s8+$0xF240] =	vst.add.f32.msk $0xffff, v53  }
0x33e: {  	[tilespmem:s8+$0xF250] =	vst.add.f32.msk $0xffff, v54  }
0x33f: {  	[tilespmem:s8+$0xF260] =	vst.add.f32.msk $0xffff, v55  }
0x340: {  	[tilespmem:s8+$0xF270] =	vst.add.f32.msk $0xffff, v56  }
0x341: {  	[tilespmem:s8+$0xF280] =	vst.add.f32.msk $0xffff, v57  }
.Ltmp2:
0x342: {  	[tilespmem:s8+$0xF290] =	vst.add.f32.msk $0xffff, v58;
	(pc) =	sbr.rel @p0 .LBB2_7-.Ltmp2, $4  }
0x343: {  	[tilespmem:s8+$0xF2A0] =	vst.add.f32.msk $0xffff, v59  }
0x344: {  	[tilespmem:s8+$0xF2B0] =	vst.add.f32.msk $0xffff, v60  }
0x345: {  	[tilespmem:s8+$0xF2C0] =	vst.add.f32.msk $0xffff, v61  }
0x346: {  	s10 =	sadd.s32 $0x1000, s10;
	[tilespmem:s8+$0xF2D0] =	vst.add.f32.msk $0xffff, v62  }
0x347: {  	s7 =	sadd.s32 s4, s7  }
0x348: {  	s7 =	sshll.u32 s7, $0x4  }
0x349: {  	[tilespmem:s8+$0xF2E0] =	vst.add.f32.msk $0xffff, v0;
	s19 =	sadd.s32 $0x1, s19;
	s7 =	sadd.s32 s6, s7  }
0x34a: {  	[hbm4b:s7+s3] =	stream.linear.scatter [tilespmem:s23], [sflag:$0x9], $0x2800, $0x38;
	[tilespmem:$0x13F00] =	vst v63  }
0x34b: {  	p0 =	sne.s32 s19, $0x29;
	_ =	swait.ge [sflag:s31], $0x2800  }
.Ltmp3:
0x34c: {  	[sflag:s31] =	ssyncset.done $0x0;
	(pc) =	sbr.rel @p0 .LBB2_2-.Ltmp3, $4  }
0x34d: {  	s10 =	sadd.s32 $0x140, s14;
	[sflag:s31] =	ssyncadd.s32 $0xFFFFD800  }
0x34e: {  	[tilespmem:s18], [sflag:$0x3] =	stream.indirect.gather [hbm4b:s2+s15], $0x80, s10, s15, $0xb8;
	[tilespmem:$0x13F00] =	vst v63  }
0x34f: {  	s14 =	sadd.s32 $0x28C0, s14  }
0x350: {  	[tilespmem:s20], [sflag:$0x4] =	stream.indirect.gather [hbm4b:s5+s15], $0x80, s14, s15, $0xb8;
	[tilespmem:$0x13F00] =	vst v63  }
0x351: {  	_ =	swait.ge [sflag:s21], $0x2800  }
0x352: {  	[sflag:s21] =	ssyncset.done $0x0  }
0x353: {  	[sflag:s21] =	ssyncadd.s32 $0xFFFFD800  }
0x354: {  	_ =	swait.ge [sflag:s22], $0x2800  }
0x355: {  	[sflag:s22] =	ssyncset.done $0x0  }
0x356: {  	s7 =	simm.s32 $0x0;
	[sflag:s22] =	ssyncadd.s32 $0xFFFFD800  }
0x357: {  	v0 =	vld [tilespmem:s7+$0x7AF0]  }
0x358: {  	v1 =	vld [tilespmem:s7+$0x7700]  }
0x359: {  	v2 =	vld [tilespmem:s7+$0x7710]  }
0x35a: {  	v3 =	vld [tilespmem:s7+$0x7720]  }
0x35b: {  	v4 =	vld [tilespmem:s7+$0x7730]  }
0x35c: {  	v5 =	vld [tilespmem:s7+$0x7740]  }
0x35d: {  	v6 =	vld [tilespmem:s7+$0x7750]  }
0x35e: {  	v7 =	vld [tilespmem:s7+$0x7760]  }
0x35f: {  	v8 =	vld [tilespmem:s7+$0x7770]  }
0x360: {  	v9 =	vld [tilespmem:s7+$0x7780]  }
0x361: {  	v10 =	vld [tilespmem:s7+$0x7790]  }
0x362: {  	v11 =	vld [tilespmem:s7+$0x77A0]  }
0x363: {  	v12 =	vld [tilespmem:s7+$0x77B0]  }
0x364: {  	v13 =	vld [tilespmem:s7+$0x77C0]  }
0x365: {  	v14 =	vld [tilespmem:s7+$0x77D0]  }
0x366: {  	v15 =	vld [tilespmem:s7+$0x77E0]  }
0x367: {  	v16 =	vld [tilespmem:s7+$0x77F0]  }
0x368: {  	v17 =	vld [tilespmem:s7+$0x7800]  }
0x369: {  	v18 =	vld [tilespmem:s7+$0x7810]  }
0x36a: {  	v19 =	vld [tilespmem:s7+$0x7820]  }
0x36b: {  	v20 =	vld [tilespmem:s7+$0x7830]  }
0x36c: {  	v21 =	vld [tilespmem:s7+$0x7840]  }
0x36d: {  	v22 =	vld [tilespmem:s7+$0x7850]  }
0x36e: {  	v23 =	vld [tilespmem:s7+$0x7860]  }
0x36f: {  	v24 =	vld [tilespmem:s7+$0x7870]  }
0x370: {  	v25 =	vld [tilespmem:s7+$0x7880]  }
0x371: {  	v26 =	vld [tilespmem:s7+$0x7890]  }
0x372: {  	v27 =	vld [tilespmem:s7+$0x78A0]  }
0x373: {  	v28 =	vld [tilespmem:s7+$0x78B0]  }
0x374: {  	v29 =	vld [tilespmem:s7+$0x78C0]  }
0x375: {  	v30 =	vld [tilespmem:s7+$0x78D0]  }
0x376: {  	v31 =	vld [tilespmem:s7+$0x78E0]  }
0x377: {  	v32 =	vld [tilespmem:s7+$0x78F0]  }
0x378: {  	v33 =	vld [tilespmem:s7+$0x7900]  }
0x379: {  	v34 =	vld [tilespmem:s7+$0x7910]  }
0x37a: {  	v35 =	vld [tilespmem:s7+$0x7920]  }
0x37b: {  	v36 =	vld [tilespmem:s7+$0x7930]  }
0x37c: {  	v37 =	vld [tilespmem:s7+$0x7940]  }
0x37d: {  	v38 =	vld [tilespmem:s7+$0x7950]  }
0x37e: {  	v39 =	vld [tilespmem:s7+$0x7960]  }
0x37f: {  	v40 =	vld [tilespmem:s7+$0x7970]  }
0x380: {  	v41 =	vld [tilespmem:s7+$0x7980]  }
0x381: {  	v42 =	vld [tilespmem:s7+$0x7990]  }
0x382: {  	v43 =	vld [tilespmem:s7+$0x79A0]  }
0x383: {  	v44 =	vld [tilespmem:s7+$0x79B0]  }
0x384: {  	v45 =	vld [tilespmem:s7+$0x79C0]  }
0x385: {  	v46 =	vld [tilespmem:s7+$0x79D0]  }
0x386: {  	v47 =	vld [tilespmem:s7+$0x79E0]  }
0x387: {  	v48 =	vld [tilespmem:s7+$0x79F0]  }
0x388: {  	v49 =	vld [tilespmem:s7+$0x7A00]  }
0x389: {  	v50 =	vld [tilespmem:s7+$0x7A10]  }
0x38a: {  	v51 =	vld [tilespmem:s7+$0x7A20]  }
0x38b: {  	v52 =	vld [tilespmem:s7+$0x7A30]  }
0x38c: {  	v53 =	vld [tilespmem:s7+$0x7A40]  }
0x38d: {  	v54 =	vld [tilespmem:s7+$0x7A50]  }
0x38e: {  	v55 =	vld [tilespmem:s7+$0x7A60]  }
0x38f: {  	v56 =	vld [tilespmem:s7+$0x7A70]  }
0x390: {  	v57 =	vld [tilespmem:s7+$0x7A80]  }
0x391: {  	v58 =	vld [tilespmem:s7+$0x7A90]  }
0x392: {  	v59 =	vld [tilespmem:s7+$0x7AA0]  }
0x393: {  	v60 =	vld [tilespmem:s7+$0x7AB0]  }
0x394: {  	v61 =	vld [tilespmem:s7+$0x7AC0]  }
0x395: {  	v62 =	vld [tilespmem:s7+$0x7AD0]  }
0x396: {  	[tilespmem:s7+$0x52F0] =	vst.add.f32.msk $0xffff, v0  }
0x397: {  	v0 =	vld [tilespmem:s7+$0x7AE0]  }
0x398: {  	[tilespmem:s7+$0x4F00] =	vst.add.f32.msk $0xffff, v1  }
0x399: {  	[tilespmem:s7+$0x4F10] =	vst.add.f32.msk $0xffff, v2  }
0x39a: {  	[tilespmem:s7+$0x4F20] =	vst.add.f32.msk $0xffff, v3  }
0x39b: {  	[tilespmem:s7+$0x4F30] =	vst.add.f32.msk $0xffff, v4  }
0x39c: {  	[tilespmem:s7+$0x4F40] =	vst.add.f32.msk $0xffff, v5  }
0x39d: {  	[tilespmem:s7+$0x4F50] =	vst.add.f32.msk $0xffff, v6  }
0x39e: {  	[tilespmem:s7+$0x4F60] =	vst.add.f32.msk $0xffff, v7  }
0x39f: {  	[tilespmem:s7+$0x4F70] =	vst.add.f32.msk $0xffff, v8  }
0x3a0: {  	[tilespmem:s7+$0x4F80] =	vst.add.f32.msk $0xffff, v9  }
0x3a1: {  	[tilespmem:s7+$0x4F90] =	vst.add.f32.msk $0xffff, v10  }
0x3a2: {  	[tilespmem:s7+$0x4FA0] =	vst.add.f32.msk $0xffff, v11  }
0x3a3: {  	[tilespmem:s7+$0x4FB0] =	vst.add.f32.msk $0xffff, v12  }
0x3a4: {  	[tilespmem:s7+$0x4FC0] =	vst.add.f32.msk $0xffff, v13  }
0x3a5: {  	[tilespmem:s7+$0x4FD0] =	vst.add.f32.msk $0xffff, v14  }
0x3a6: {  	[tilespmem:s7+$0x4FE0] =	vst.add.f32.msk $0xffff, v15  }
0x3a7: {  	[tilespmem:s7+$0x4FF0] =	vst.add.f32.msk $0xffff, v16  }
0x3a8: {  	[tilespmem:s7+$0x5000] =	vst.add.f32.msk $0xffff, v17  }
0x3a9: {  	[tilespmem:s7+$0x5010] =	vst.add.f32.msk $0xffff, v18  }
0x3aa: {  	[tilespmem:s7+$0x5020] =	vst.add.f32.msk $0xffff, v19  }
0x3ab: {  	[tilespmem:s7+$0x5030] =	vst.add.f32.msk $0xffff, v20  }
0x3ac: {  	[tilespmem:s7+$0x5040] =	vst.add.f32.msk $0xffff, v21  }
0x3ad: {  	[tilespmem:s7+$0x5050] =	vst.add.f32.msk $0xffff, v22  }
0x3ae: {  	[tilespmem:s7+$0x5060] =	vst.add.f32.msk $0xffff, v23  }
0x3af: {  	[tilespmem:s7+$0x5070] =	vst.add.f32.msk $0xffff, v24  }
0x3b0: {  	[tilespmem:s7+$0x5080] =	vst.add.f32.msk $0xffff, v25  }
0x3b1: {  	[tilespmem:s7+$0x5090] =	vst.add.f32.msk $0xffff, v26  }
0x3b2: {  	[tilespmem:s7+$0x50A0] =	vst.add.f32.msk $0xffff, v27  }
0x3b3: {  	[tilespmem:s7+$0x50B0] =	vst.add.f32.msk $0xffff, v28  }
0x3b4: {  	[tilespmem:s7+$0x50C0] =	vst.add.f32.msk $0xffff, v29  }
0x3b5: {  	[tilespmem:s7+$0x50D0] =	vst.add.f32.msk $0xffff, v30  }
0x3b6: {  	[tilespmem:s7+$0x50E0] =	vst.add.f32.msk $0xffff, v31  }
0x3b7: {  	[tilespmem:s7+$0x50F0] =	vst.add.f32.msk $0xffff, v32  }
0x3b8: {  	[tilespmem:s7+$0x5100] =	vst.add.f32.msk $0xffff, v33  }
0x3b9: {  	[tilespmem:s7+$0x5110] =	vst.add.f32.msk $0xffff, v34  }
0x3ba: {  	[tilespmem:s7+$0x5120] =	vst.add.f32.msk $0xffff, v35  }
0x3bb: {  	[tilespmem:s7+$0x5130] =	vst.add.f32.msk $0xffff, v36  }
0x3bc: {  	[tilespmem:s7+$0x5140] =	vst.add.f32.msk $0xffff, v37  }
0x3bd: {  	[tilespmem:s7+$0x5150] =	vst.add.f32.msk $0xffff, v38  }
0x3be: {  	[tilespmem:s7+$0x5160] =	vst.add.f32.msk $0xffff, v39  }
0x3bf: {  	[tilespmem:s7+$0x5170] =	vst.add.f32.msk $0xffff, v40  }
0x3c0: {  	[tilespmem:s7+$0x5180] =	vst.add.f32.msk $0xffff, v41  }
0x3c1: {  	[tilespmem:s7+$0x5190] =	vst.add.f32.msk $0xffff, v42  }
0x3c2: {  	[tilespmem:s7+$0x51A0] =	vst.add.f32.msk $0xffff, v43  }
0x3c3: {  	[tilespmem:s7+$0x51B0] =	vst.add.f32.msk $0xffff, v44  }
0x3c4: {  	[tilespmem:s7+$0x51C0] =	vst.add.f32.msk $0xffff, v45  }
0x3c5: {  	[tilespmem:s7+$0x51D0] =	vst.add.f32.msk $0xffff, v46  }
0x3c6: {  	[tilespmem:s7+$0x51E0] =	vst.add.f32.msk $0xffff, v47  }
0x3c7: {  	[tilespmem:s7+$0x51F0] =	vst.add.f32.msk $0xffff, v48  }
0x3c8: {  	[tilespmem:s7+$0x5200] =	vst.add.f32.msk $0xffff, v49  }
0x3c9: {  	[tilespmem:s7+$0x5210] =	vst.add.f32.msk $0xffff, v50  }
0x3ca: {  	[tilespmem:s7+$0x5220] =	vst.add.f32.msk $0xffff, v51  }
0x3cb: {  	[tilespmem:s7+$0x5230] =	vst.add.f32.msk $0xffff, v52  }
0x3cc: {  	[tilespmem:s7+$0x5240] =	vst.add.f32.msk $0xffff, v53  }
0x3cd: {  	[tilespmem:s7+$0x5250] =	vst.add.f32.msk $0xffff, v54  }
0x3ce: {  	[tilespmem:s7+$0x5260] =	vst.add.f32.msk $0xffff, v55  }
0x3cf: {  	[tilespmem:s7+$0x5270] =	vst.add.f32.msk $0xffff, v56  }
0x3d0: {  	[tilespmem:s7+$0x5280] =	vst.add.f32.msk $0xffff, v57  }
0x3d1: {  	[tilespmem:s7+$0x5290] =	vst.add.f32.msk $0xffff, v58  }
0x3d2: {  	[tilespmem:s7+$0x52A0] =	vst.add.f32.msk $0xffff, v59  }
0x3d3: {  	[tilespmem:s7+$0x52B0] =	vst.add.f32.msk $0xffff, v60  }
0x3d4: {  	[tilespmem:s7+$0x52C0] =	vst.add.f32.msk $0xffff, v61  }
0x3d5: {  	s8 =	simm.s32 $0x0;
	s9 =	simm.s32 $0x1000;
	[tilespmem:s7+$0x52D0] =	vst.add.f32.msk $0xffff, v62  }
.LBB2_10:
0x3d6: {  	s8 =	sadd.s32 $0x8, s8;
	[tilespmem:s7+$0x52E0] =	vst.add.f32.msk $0xffff, v0;
	s7 =	sshra.s32 s9, $0x2  }
0x3d7: {  	v0 =	vld [tilespmem:s7+$0x7AF0];
	p0 =	slt.u32 s8, $0x48  }
0x3d8: {  	v1 =	vld [tilespmem:s7+$0x7700]  }
0x3d9: {  	v2 =	vld [tilespmem:s7+$0x7710]  }
0x3da: {  	v3 =	vld [tilespmem:s7+$0x7720]  }
0x3db: {  	v4 =	vld [tilespmem:s7+$0x7730]  }
0x3dc: {  	[tilespmem:s7+$0x52F0] =	vst.add.f32.msk $0xffff, v0  }
0x3dd: {  	v5 =	vld [tilespmem:s7+$0x7740]  }
0x3de: {  	v6 =	vld [tilespmem:s7+$0x7750]  }
0x3df: {  	v7 =	vld [tilespmem:s7+$0x7760]  }
0x3e0: {  	v8 =	vld [tilespmem:s7+$0x7770]  }
0x3e1: {  	v9 =	vld [tilespmem:s7+$0x7780]  }
0x3e2: {  	v10 =	vld [tilespmem:s7+$0x7790]  }
0x3e3: {  	v11 =	vld [tilespmem:s7+$0x77A0]  }
0x3e4: {  	v12 =	vld [tilespmem:s7+$0x77B0]  }
0x3e5: {  	v13 =	vld [tilespmem:s7+$0x77C0]  }
0x3e6: {  	v14 =	vld [tilespmem:s7+$0x77D0]  }
0x3e7: {  	v15 =	vld [tilespmem:s7+$0x77E0]  }
0x3e8: {  	v16 =	vld [tilespmem:s7+$0x77F0]  }
0x3e9: {  	v17 =	vld [tilespmem:s7+$0x7800]  }
0x3ea: {  	v18 =	vld [tilespmem:s7+$0x7810]  }
0x3eb: {  	v19 =	vld [tilespmem:s7+$0x7820]  }
0x3ec: {  	v20 =	vld [tilespmem:s7+$0x7830]  }
0x3ed: {  	v21 =	vld [tilespmem:s7+$0x7840]  }
0x3ee: {  	v22 =	vld [tilespmem:s7+$0x7850]  }
0x3ef: {  	v23 =	vld [tilespmem:s7+$0x7860]  }
0x3f0: {  	v24 =	vld [tilespmem:s7+$0x7870]  }
0x3f1: {  	v25 =	vld [tilespmem:s7+$0x7880]  }
0x3f2: {  	v26 =	vld [tilespmem:s7+$0x7890]  }
0x3f3: {  	v27 =	vld [tilespmem:s7+$0x78A0]  }
0x3f4: {  	v28 =	vld [tilespmem:s7+$0x78B0]  }
0x3f5: {  	v29 =	vld [tilespmem:s7+$0x78C0]  }
0x3f6: {  	v30 =	vld [tilespmem:s7+$0x78D0]  }
0x3f7: {  	v31 =	vld [tilespmem:s7+$0x78E0]  }
0x3f8: {  	v32 =	vld [tilespmem:s7+$0x78F0]  }
0x3f9: {  	v33 =	vld [tilespmem:s7+$0x7900]  }
0x3fa: {  	v34 =	vld [tilespmem:s7+$0x7910]  }
0x3fb: {  	v35 =	vld [tilespmem:s7+$0x7920]  }
0x3fc: {  	v36 =	vld [tilespmem:s7+$0x7930]  }
0x3fd: {  	v37 =	vld [tilespmem:s7+$0x7940]  }
0x3fe: {  	v38 =	vld [tilespmem:s7+$0x7950]  }
0x3ff: {  	v39 =	vld [tilespmem:s7+$0x7960]  }
0x400: {  	v40 =	vld [tilespmem:s7+$0x7970]  }
0x401: {  	v41 =	vld [tilespmem:s7+$0x7980]  }
0x402: {  	v42 =	vld [tilespmem:s7+$0x7990]  }
0x403: {  	v43 =	vld [tilespmem:s7+$0x79A0]  }
0x404: {  	v44 =	vld [tilespmem:s7+$0x79B0]  }
0x405: {  	v45 =	vld [tilespmem:s7+$0x79C0]  }
0x406: {  	v46 =	vld [tilespmem:s7+$0x79D0]  }
0x407: {  	v47 =	vld [tilespmem:s7+$0x79E0]  }
0x408: {  	v48 =	vld [tilespmem:s7+$0x79F0]  }
0x409: {  	v49 =	vld [tilespmem:s7+$0x7A00]  }
0x40a: {  	v50 =	vld [tilespmem:s7+$0x7A10]  }
0x40b: {  	v51 =	vld [tilespmem:s7+$0x7A20]  }
0x40c: {  	v52 =	vld [tilespmem:s7+$0x7A30]  }
0x40d: {  	v53 =	vld [tilespmem:s7+$0x7A40]  }
0x40e: {  	v54 =	vld [tilespmem:s7+$0x7A50]  }
0x40f: {  	v55 =	vld [tilespmem:s7+$0x7A60]  }
0x410: {  	v56 =	vld [tilespmem:s7+$0x7A70]  }
0x411: {  	v57 =	vld [tilespmem:s7+$0x7A80]  }
0x412: {  	v58 =	vld [tilespmem:s7+$0x7A90]  }
0x413: {  	v59 =	vld [tilespmem:s7+$0x7AA0]  }
0x414: {  	v60 =	vld [tilespmem:s7+$0x7AB0]  }
0x415: {  	v61 =	vld [tilespmem:s7+$0x7AC0]  }
0x416: {  	v62 =	vld [tilespmem:s7+$0x7AD0]  }
0x417: {  	v0 =	vld [tilespmem:s7+$0x7AE0]  }
0x418: {  	[tilespmem:s7+$0x4F00] =	vst.add.f32.msk $0xffff, v1  }
0x419: {  	[tilespmem:s7+$0x4F10] =	vst.add.f32.msk $0xffff, v2  }
0x41a: {  	[tilespmem:s7+$0x4F20] =	vst.add.f32.msk $0xffff, v3  }
0x41b: {  	[tilespmem:s7+$0x4F30] =	vst.add.f32.msk $0xffff, v4  }
0x41c: {  	[tilespmem:s7+$0x4F40] =	vst.add.f32.msk $0xffff, v5  }
0x41d: {  	[tilespmem:s7+$0x4F50] =	vst.add.f32.msk $0xffff, v6  }
0x41e: {  	[tilespmem:s7+$0x4F60] =	vst.add.f32.msk $0xffff, v7  }
0x41f: {  	[tilespmem:s7+$0x4F70] =	vst.add.f32.msk $0xffff, v8  }
0x420: {  	[tilespmem:s7+$0x4F80] =	vst.add.f32.msk $0xffff, v9  }
0x421: {  	[tilespmem:s7+$0x4F90] =	vst.add.f32.msk $0xffff, v10  }
0x422: {  	[tilespmem:s7+$0x4FA0] =	vst.add.f32.msk $0xffff, v11  }
0x423: {  	[tilespmem:s7+$0x4FB0] =	vst.add.f32.msk $0xffff, v12  }
0x424: {  	[tilespmem:s7+$0x4FC0] =	vst.add.f32.msk $0xffff, v13  }
0x425: {  	[tilespmem:s7+$0x4FD0] =	vst.add.f32.msk $0xffff, v14  }
0x426: {  	[tilespmem:s7+$0x4FE0] =	vst.add.f32.msk $0xffff, v15  }
0x427: {  	[tilespmem:s7+$0x4FF0] =	vst.add.f32.msk $0xffff, v16  }
0x428: {  	[tilespmem:s7+$0x5000] =	vst.add.f32.msk $0xffff, v17  }
0x429: {  	[tilespmem:s7+$0x5010] =	vst.add.f32.msk $0xffff, v18  }
0x42a: {  	[tilespmem:s7+$0x5020] =	vst.add.f32.msk $0xffff, v19  }
0x42b: {  	[tilespmem:s7+$0x5030] =	vst.add.f32.msk $0xffff, v20  }
0x42c: {  	[tilespmem:s7+$0x5040] =	vst.add.f32.msk $0xffff, v21  }
0x42d: {  	[tilespmem:s7+$0x5050] =	vst.add.f32.msk $0xffff, v22  }
0x42e: {  	[tilespmem:s7+$0x5060] =	vst.add.f32.msk $0xffff, v23  }
0x42f: {  	[tilespmem:s7+$0x5070] =	vst.add.f32.msk $0xffff, v24  }
0x430: {  	[tilespmem:s7+$0x5080] =	vst.add.f32.msk $0xffff, v25  }
0x431: {  	[tilespmem:s7+$0x5090] =	vst.add.f32.msk $0xffff, v26  }
0x432: {  	[tilespmem:s7+$0x50A0] =	vst.add.f32.msk $0xffff, v27  }
0x433: {  	[tilespmem:s7+$0x50B0] =	vst.add.f32.msk $0xffff, v28  }
0x434: {  	[tilespmem:s7+$0x50C0] =	vst.add.f32.msk $0xffff, v29  }
0x435: {  	[tilespmem:s7+$0x50D0] =	vst.add.f32.msk $0xffff, v30  }
0x436: {  	[tilespmem:s7+$0x50E0] =	vst.add.f32.msk $0xffff, v31  }
0x437: {  	[tilespmem:s7+$0x50F0] =	vst.add.f32.msk $0xffff, v32  }
0x438: {  	[tilespmem:s7+$0x5100] =	vst.add.f32.msk $0xffff, v33  }
0x439: {  	[tilespmem:s7+$0x5110] =	vst.add.f32.msk $0xffff, v34  }
0x43a: {  	[tilespmem:s7+$0x5120] =	vst.add.f32.msk $0xffff, v35  }
0x43b: {  	[tilespmem:s7+$0x5130] =	vst.add.f32.msk $0xffff, v36  }
0x43c: {  	[tilespmem:s7+$0x5140] =	vst.add.f32.msk $0xffff, v37  }
0x43d: {  	[tilespmem:s7+$0x5150] =	vst.add.f32.msk $0xffff, v38  }
0x43e: {  	[tilespmem:s7+$0x5160] =	vst.add.f32.msk $0xffff, v39  }
0x43f: {  	[tilespmem:s7+$0x5170] =	vst.add.f32.msk $0xffff, v40  }
0x440: {  	[tilespmem:s7+$0x5180] =	vst.add.f32.msk $0xffff, v41  }
0x441: {  	[tilespmem:s7+$0x5190] =	vst.add.f32.msk $0xffff, v42  }
0x442: {  	[tilespmem:s7+$0x51A0] =	vst.add.f32.msk $0xffff, v43  }
0x443: {  	[tilespmem:s7+$0x51B0] =	vst.add.f32.msk $0xffff, v44  }
0x444: {  	[tilespmem:s7+$0x51C0] =	vst.add.f32.msk $0xffff, v45  }
0x445: {  	[tilespmem:s7+$0x51D0] =	vst.add.f32.msk $0xffff, v46  }
0x446: {  	[tilespmem:s7+$0x51E0] =	vst.add.f32.msk $0xffff, v47  }
0x447: {  	[tilespmem:s7+$0x51F0] =	vst.add.f32.msk $0xffff, v48  }
0x448: {  	[tilespmem:s7+$0x5200] =	vst.add.f32.msk $0xffff, v49  }
0x449: {  	[tilespmem:s7+$0x5210] =	vst.add.f32.msk $0xffff, v50  }
0x44a: {  	[tilespmem:s7+$0x5220] =	vst.add.f32.msk $0xffff, v51  }
0x44b: {  	[tilespmem:s7+$0x5230] =	vst.add.f32.msk $0xffff, v52  }
0x44c: {  	[tilespmem:s7+$0x5240] =	vst.add.f32.msk $0xffff, v53  }
0x44d: {  	[tilespmem:s7+$0x5250] =	vst.add.f32.msk $0xffff, v54  }
0x44e: {  	[tilespmem:s7+$0x5260] =	vst.add.f32.msk $0xffff, v55  }
0x44f: {  	[tilespmem:s7+$0x5270] =	vst.add.f32.msk $0xffff, v56  }
0x450: {  	[tilespmem:s7+$0x5280] =	vst.add.f32.msk $0xffff, v57  }
.Ltmp4:
0x451: {  	[tilespmem:s7+$0x5290] =	vst.add.f32.msk $0xffff, v58;
	(pc) =	sbr.rel @p0 .LBB2_10-.Ltmp4, $4  }
0x452: {  	[tilespmem:s7+$0x52A0] =	vst.add.f32.msk $0xffff, v59  }
0x453: {  	[tilespmem:s7+$0x52B0] =	vst.add.f32.msk $0xffff, v60  }
0x454: {  	[tilespmem:s7+$0x52C0] =	vst.add.f32.msk $0xffff, v61  }
0x455: {  	s9 =	sadd.s32 $0x1000, s9;
	[tilespmem:s7+$0x52D0] =	vst.add.f32.msk $0xffff, v62  }
0x456: {  	[tilespmem:s7+$0x52E0] =	vst.add.f32.msk $0xffff, v0  }
0x457: {  	s19 =	simm.s32 $0x0;
	s8 =	rddreg [dreg:$0x5]  }
0x458: {  	[hbm4b:s8+s19] =	stream.linear.scatter [tilespmem:s16], [sflag:$0x7], $0x2800, $0x38;
	[tilespmem:$0x13F00] =	vst v63  }
0x459: {  	_ =	swait.ge [sflag:s1], $0x2800  }
0x45a: {  	[sflag:s1] =	ssyncset.done $0x0  }
0x45b: {  	[sflag:s1] =	ssyncadd.s32 $0xFFFFD800  }
0x45c: {  	_ =	swait.ge [sflag:s25], $0x2800  }
0x45d: {  	[sflag:s25] =	ssyncset.done $0x0  }
0x45e: {  	[sflag:s25] =	ssyncadd.s32 $0xFFFFD800  }
0x45f: {  	_ =	swait.ge [sflag:s26], $0x2800  }
0x460: {  	[sflag:s26] =	ssyncset.done $0x0  }
0x461: {  	s7 =	simm.s32 $0x0;
	[sflag:s26] =	ssyncadd.s32 $0xFFFFD800  }
0x462: {  	v0 =	vld [tilespmem:s7+$0xCAF0]  }
0x463: {  	v1 =	vld [tilespmem:s7+$0xC700]  }
0x464: {  	v2 =	vld [tilespmem:s7+$0xC710]  }
0x465: {  	v3 =	vld [tilespmem:s7+$0xC720]  }
0x466: {  	v4 =	vld [tilespmem:s7+$0xC730]  }
0x467: {  	v5 =	vld [tilespmem:s7+$0xC740]  }
0x468: {  	v6 =	vld [tilespmem:s7+$0xC750]  }
0x469: {  	v7 =	vld [tilespmem:s7+$0xC760]  }
0x46a: {  	v8 =	vld [tilespmem:s7+$0xC770]  }
0x46b: {  	v9 =	vld [tilespmem:s7+$0xC780]  }
0x46c: {  	v10 =	vld [tilespmem:s7+$0xC790]  }
0x46d: {  	v11 =	vld [tilespmem:s7+$0xC7A0]  }
0x46e: {  	v12 =	vld [tilespmem:s7+$0xC7B0]  }
0x46f: {  	v13 =	vld [tilespmem:s7+$0xC7C0]  }
0x470: {  	v14 =	vld [tilespmem:s7+$0xC7D0]  }
0x471: {  	v15 =	vld [tilespmem:s7+$0xC7E0]  }
0x472: {  	v16 =	vld [tilespmem:s7+$0xC7F0]  }
0x473: {  	v17 =	vld [tilespmem:s7+$0xC800]  }
0x474: {  	v18 =	vld [tilespmem:s7+$0xC810]  }
0x475: {  	v19 =	vld [tilespmem:s7+$0xC820]  }
0x476: {  	v20 =	vld [tilespmem:s7+$0xC830]  }
0x477: {  	v21 =	vld [tilespmem:s7+$0xC840]  }
0x478: {  	v22 =	vld [tilespmem:s7+$0xC850]  }
0x479: {  	v23 =	vld [tilespmem:s7+$0xC860]  }
0x47a: {  	v24 =	vld [tilespmem:s7+$0xC870]  }
0x47b: {  	v25 =	vld [tilespmem:s7+$0xC880]  }
0x47c: {  	v26 =	vld [tilespmem:s7+$0xC890]  }
0x47d: {  	v27 =	vld [tilespmem:s7+$0xC8A0]  }
0x47e: {  	v28 =	vld [tilespmem:s7+$0xC8B0]  }
0x47f: {  	v29 =	vld [tilespmem:s7+$0xC8C0]  }
0x480: {  	v30 =	vld [tilespmem:s7+$0xC8D0]  }
0x481: {  	v31 =	vld [tilespmem:s7+$0xC8E0]  }
0x482: {  	v32 =	vld [tilespmem:s7+$0xC8F0]  }
0x483: {  	v33 =	vld [tilespmem:s7+$0xC900]  }
0x484: {  	v34 =	vld [tilespmem:s7+$0xC910]  }
0x485: {  	v35 =	vld [tilespmem:s7+$0xC920]  }
0x486: {  	v36 =	vld [tilespmem:s7+$0xC930]  }
0x487: {  	v37 =	vld [tilespmem:s7+$0xC940]  }
0x488: {  	v38 =	vld [tilespmem:s7+$0xC950]  }
0x489: {  	v39 =	vld [tilespmem:s7+$0xC960]  }
0x48a: {  	v40 =	vld [tilespmem:s7+$0xC970]  }
0x48b: {  	v41 =	vld [tilespmem:s7+$0xC980]  }
0x48c: {  	v42 =	vld [tilespmem:s7+$0xC990]  }
0x48d: {  	v43 =	vld [tilespmem:s7+$0xC9A0]  }
0x48e: {  	v44 =	vld [tilespmem:s7+$0xC9B0]  }
0x48f: {  	v45 =	vld [tilespmem:s7+$0xC9C0]  }
0x490: {  	v46 =	vld [tilespmem:s7+$0xC9D0]  }
0x491: {  	v47 =	vld [tilespmem:s7+$0xC9E0]  }
0x492: {  	v48 =	vld [tilespmem:s7+$0xC9F0]  }
0x493: {  	v49 =	vld [tilespmem:s7+$0xCA00]  }
0x494: {  	v50 =	vld [tilespmem:s7+$0xCA10]  }
0x495: {  	v51 =	vld [tilespmem:s7+$0xCA20]  }
0x496: {  	v52 =	vld [tilespmem:s7+$0xCA30]  }
0x497: {  	v53 =	vld [tilespmem:s7+$0xCA40]  }
0x498: {  	v54 =	vld [tilespmem:s7+$0xCA50]  }
0x499: {  	v55 =	vld [tilespmem:s7+$0xCA60]  }
0x49a: {  	v56 =	vld [tilespmem:s7+$0xCA70]  }
0x49b: {  	v57 =	vld [tilespmem:s7+$0xCA80]  }
0x49c: {  	v58 =	vld [tilespmem:s7+$0xCA90]  }
0x49d: {  	v59 =	vld [tilespmem:s7+$0xCAA0]  }
0x49e: {  	v60 =	vld [tilespmem:s7+$0xCAB0]  }
0x49f: {  	v61 =	vld [tilespmem:s7+$0xCAC0]  }
0x4a0: {  	v62 =	vld [tilespmem:s7+$0xCAD0]  }
0x4a1: {  	[tilespmem:s7+$0xA2F0] =	vst.add.f32.msk $0xffff, v0  }
0x4a2: {  	v0 =	vld [tilespmem:s7+$0xCAE0]  }
0x4a3: {  	[tilespmem:s7+$0x9F00] =	vst.add.f32.msk $0xffff, v1  }
0x4a4: {  	[tilespmem:s7+$0x9F10] =	vst.add.f32.msk $0xffff, v2  }
0x4a5: {  	[tilespmem:s7+$0x9F20] =	vst.add.f32.msk $0xffff, v3  }
0x4a6: {  	[tilespmem:s7+$0x9F30] =	vst.add.f32.msk $0xffff, v4  }
0x4a7: {  	[tilespmem:s7+$0x9F40] =	vst.add.f32.msk $0xffff, v5  }
0x4a8: {  	[tilespmem:s7+$0x9F50] =	vst.add.f32.msk $0xffff, v6  }
0x4a9: {  	[tilespmem:s7+$0x9F60] =	vst.add.f32.msk $0xffff, v7  }
0x4aa: {  	[tilespmem:s7+$0x9F70] =	vst.add.f32.msk $0xffff, v8  }
0x4ab: {  	[tilespmem:s7+$0x9F80] =	vst.add.f32.msk $0xffff, v9  }
0x4ac: {  	[tilespmem:s7+$0x9F90] =	vst.add.f32.msk $0xffff, v10  }
0x4ad: {  	[tilespmem:s7+$0x9FA0] =	vst.add.f32.msk $0xffff, v11  }
0x4ae: {  	[tilespmem:s7+$0x9FB0] =	vst.add.f32.msk $0xffff, v12  }
0x4af: {  	[tilespmem:s7+$0x9FC0] =	vst.add.f32.msk $0xffff, v13  }
0x4b0: {  	[tilespmem:s7+$0x9FD0] =	vst.add.f32.msk $0xffff, v14  }
0x4b1: {  	[tilespmem:s7+$0x9FE0] =	vst.add.f32.msk $0xffff, v15  }
0x4b2: {  	[tilespmem:s7+$0x9FF0] =	vst.add.f32.msk $0xffff, v16  }
0x4b3: {  	[tilespmem:s7+$0xA000] =	vst.add.f32.msk $0xffff, v17  }
0x4b4: {  	[tilespmem:s7+$0xA010] =	vst.add.f32.msk $0xffff, v18  }
0x4b5: {  	[tilespmem:s7+$0xA020] =	vst.add.f32.msk $0xffff, v19  }
0x4b6: {  	[tilespmem:s7+$0xA030] =	vst.add.f32.msk $0xffff, v20  }
0x4b7: {  	[tilespmem:s7+$0xA040] =	vst.add.f32.msk $0xffff, v21  }
0x4b8: {  	[tilespmem:s7+$0xA050] =	vst.add.f32.msk $0xffff, v22  }
0x4b9: {  	[tilespmem:s7+$0xA060] =	vst.add.f32.msk $0xffff, v23  }
0x4ba: {  	[tilespmem:s7+$0xA070] =	vst.add.f32.msk $0xffff, v24  }
0x4bb: {  	[tilespmem:s7+$0xA080] =	vst.add.f32.msk $0xffff, v25  }
0x4bc: {  	[tilespmem:s7+$0xA090] =	vst.add.f32.msk $0xffff, v26  }
0x4bd: {  	[tilespmem:s7+$0xA0A0] =	vst.add.f32.msk $0xffff, v27  }
0x4be: {  	[tilespmem:s7+$0xA0B0] =	vst.add.f32.msk $0xffff, v28  }
0x4bf: {  	[tilespmem:s7+$0xA0C0] =	vst.add.f32.msk $0xffff, v29  }
0x4c0: {  	[tilespmem:s7+$0xA0D0] =	vst.add.f32.msk $0xffff, v30  }
0x4c1: {  	[tilespmem:s7+$0xA0E0] =	vst.add.f32.msk $0xffff, v31  }
0x4c2: {  	[tilespmem:s7+$0xA0F0] =	vst.add.f32.msk $0xffff, v32  }
0x4c3: {  	[tilespmem:s7+$0xA100] =	vst.add.f32.msk $0xffff, v33  }
0x4c4: {  	[tilespmem:s7+$0xA110] =	vst.add.f32.msk $0xffff, v34  }
0x4c5: {  	[tilespmem:s7+$0xA120] =	vst.add.f32.msk $0xffff, v35  }
0x4c6: {  	[tilespmem:s7+$0xA130] =	vst.add.f32.msk $0xffff, v36  }
0x4c7: {  	[tilespmem:s7+$0xA140] =	vst.add.f32.msk $0xffff, v37  }
0x4c8: {  	[tilespmem:s7+$0xA150] =	vst.add.f32.msk $0xffff, v38  }
0x4c9: {  	[tilespmem:s7+$0xA160] =	vst.add.f32.msk $0xffff, v39  }
0x4ca: {  	[tilespmem:s7+$0xA170] =	vst.add.f32.msk $0xffff, v40  }
0x4cb: {  	[tilespmem:s7+$0xA180] =	vst.add.f32.msk $0xffff, v41  }
0x4cc: {  	[tilespmem:s7+$0xA190] =	vst.add.f32.msk $0xffff, v42  }
0x4cd: {  	[tilespmem:s7+$0xA1A0] =	vst.add.f32.msk $0xffff, v43  }
0x4ce: {  	[tilespmem:s7+$0xA1B0] =	vst.add.f32.msk $0xffff, v44  }
0x4cf: {  	[tilespmem:s7+$0xA1C0] =	vst.add.f32.msk $0xffff, v45  }
0x4d0: {  	[tilespmem:s7+$0xA1D0] =	vst.add.f32.msk $0xffff, v46  }
0x4d1: {  	[tilespmem:s7+$0xA1E0] =	vst.add.f32.msk $0xffff, v47  }
0x4d2: {  	[tilespmem:s7+$0xA1F0] =	vst.add.f32.msk $0xffff, v48  }
0x4d3: {  	[tilespmem:s7+$0xA200] =	vst.add.f32.msk $0xffff, v49  }
0x4d4: {  	[tilespmem:s7+$0xA210] =	vst.add.f32.msk $0xffff, v50  }
0x4d5: {  	[tilespmem:s7+$0xA220] =	vst.add.f32.msk $0xffff, v51  }
0x4d6: {  	[tilespmem:s7+$0xA230] =	vst.add.f32.msk $0xffff, v52  }
0x4d7: {  	[tilespmem:s7+$0xA240] =	vst.add.f32.msk $0xffff, v53  }
0x4d8: {  	[tilespmem:s7+$0xA250] =	vst.add.f32.msk $0xffff, v54  }
0x4d9: {  	[tilespmem:s7+$0xA260] =	vst.add.f32.msk $0xffff, v55  }
0x4da: {  	[tilespmem:s7+$0xA270] =	vst.add.f32.msk $0xffff, v56  }
0x4db: {  	[tilespmem:s7+$0xA280] =	vst.add.f32.msk $0xffff, v57  }
0x4dc: {  	[tilespmem:s7+$0xA290] =	vst.add.f32.msk $0xffff, v58  }
0x4dd: {  	[tilespmem:s7+$0xA2A0] =	vst.add.f32.msk $0xffff, v59  }
0x4de: {  	[tilespmem:s7+$0xA2B0] =	vst.add.f32.msk $0xffff, v60  }
0x4df: {  	[tilespmem:s7+$0xA2C0] =	vst.add.f32.msk $0xffff, v61  }
0x4e0: {  	s9 =	simm.s32 $0x1000;
	s8 =	simm.s32 $0x0;
	[tilespmem:s7+$0xA2D0] =	vst.add.f32.msk $0xffff, v62  }
.LBB2_12:
0x4e1: {  	s8 =	sadd.s32 $0x8, s8;
	[tilespmem:s7+$0xA2E0] =	vst.add.f32.msk $0xffff, v0;
	s7 =	sshra.s32 s9, $0x2  }
0x4e2: {  	v0 =	vld [tilespmem:s7+$0xCAF0];
	p0 =	slt.u32 s8, $0x48  }
0x4e3: {  	v1 =	vld [tilespmem:s7+$0xC700]  }
0x4e4: {  	v2 =	vld [tilespmem:s7+$0xC710]  }
0x4e5: {  	v3 =	vld [tilespmem:s7+$0xC720]  }
0x4e6: {  	v4 =	vld [tilespmem:s7+$0xC730]  }
0x4e7: {  	[tilespmem:s7+$0xA2F0] =	vst.add.f32.msk $0xffff, v0  }
0x4e8: {  	v5 =	vld [tilespmem:s7+$0xC740]  }
0x4e9: {  	v6 =	vld [tilespmem:s7+$0xC750]  }
0x4ea: {  	v7 =	vld [tilespmem:s7+$0xC760]  }
0x4eb: {  	v8 =	vld [tilespmem:s7+$0xC770]  }
0x4ec: {  	v9 =	vld [tilespmem:s7+$0xC780]  }
0x4ed: {  	v10 =	vld [tilespmem:s7+$0xC790]  }
0x4ee: {  	v11 =	vld [tilespmem:s7+$0xC7A0]  }
0x4ef: {  	v12 =	vld [tilespmem:s7+$0xC7B0]  }
0x4f0: {  	v13 =	vld [tilespmem:s7+$0xC7C0]  }
0x4f1: {  	v14 =	vld [tilespmem:s7+$0xC7D0]  }
0x4f2: {  	v15 =	vld [tilespmem:s7+$0xC7E0]  }
0x4f3: {  	v16 =	vld [tilespmem:s7+$0xC7F0]  }
0x4f4: {  	v17 =	vld [tilespmem:s7+$0xC800]  }
0x4f5: {  	v18 =	vld [tilespmem:s7+$0xC810]  }
0x4f6: {  	v19 =	vld [tilespmem:s7+$0xC820]  }
0x4f7: {  	v20 =	vld [tilespmem:s7+$0xC830]  }
0x4f8: {  	v21 =	vld [tilespmem:s7+$0xC840]  }
0x4f9: {  	v22 =	vld [tilespmem:s7+$0xC850]  }
0x4fa: {  	v23 =	vld [tilespmem:s7+$0xC860]  }
0x4fb: {  	v24 =	vld [tilespmem:s7+$0xC870]  }
0x4fc: {  	v25 =	vld [tilespmem:s7+$0xC880]  }
0x4fd: {  	v26 =	vld [tilespmem:s7+$0xC890]  }
0x4fe: {  	v27 =	vld [tilespmem:s7+$0xC8A0]  }
0x4ff: {  	v28 =	vld [tilespmem:s7+$0xC8B0]  }
0x500: {  	v29 =	vld [tilespmem:s7+$0xC8C0]  }
0x501: {  	v30 =	vld [tilespmem:s7+$0xC8D0]  }
0x502: {  	v31 =	vld [tilespmem:s7+$0xC8E0]  }
0x503: {  	v32 =	vld [tilespmem:s7+$0xC8F0]  }
0x504: {  	v33 =	vld [tilespmem:s7+$0xC900]  }
0x505: {  	v34 =	vld [tilespmem:s7+$0xC910]  }
0x506: {  	v35 =	vld [tilespmem:s7+$0xC920]  }
0x507: {  	v36 =	vld [tilespmem:s7+$0xC930]  }
0x508: {  	v37 =	vld [tilespmem:s7+$0xC940]  }
0x509: {  	v38 =	vld [tilespmem:s7+$0xC950]  }
0x50a: {  	v39 =	vld [tilespmem:s7+$0xC960]  }
0x50b: {  	v40 =	vld [tilespmem:s7+$0xC970]  }
0x50c: {  	v41 =	vld [tilespmem:s7+$0xC980]  }
0x50d: {  	v42 =	vld [tilespmem:s7+$0xC990]  }
0x50e: {  	v43 =	vld [tilespmem:s7+$0xC9A0]  }
0x50f: {  	v44 =	vld [tilespmem:s7+$0xC9B0]  }
0x510: {  	v45 =	vld [tilespmem:s7+$0xC9C0]  }
0x511: {  	v46 =	vld [tilespmem:s7+$0xC9D0]  }
0x512: {  	v47 =	vld [tilespmem:s7+$0xC9E0]  }
0x513: {  	v48 =	vld [tilespmem:s7+$0xC9F0]  }
0x514: {  	v49 =	vld [tilespmem:s7+$0xCA00]  }
0x515: {  	v50 =	vld [tilespmem:s7+$0xCA10]  }
0x516: {  	v51 =	vld [tilespmem:s7+$0xCA20]  }
0x517: {  	v52 =	vld [tilespmem:s7+$0xCA30]  }
0x518: {  	v53 =	vld [tilespmem:s7+$0xCA40]  }
0x519: {  	v54 =	vld [tilespmem:s7+$0xCA50]  }
0x51a: {  	v55 =	vld [tilespmem:s7+$0xCA60]  }
0x51b: {  	v56 =	vld [tilespmem:s7+$0xCA70]  }
0x51c: {  	v57 =	vld [tilespmem:s7+$0xCA80]  }
0x51d: {  	v58 =	vld [tilespmem:s7+$0xCA90]  }
0x51e: {  	v59 =	vld [tilespmem:s7+$0xCAA0]  }
0x51f: {  	v60 =	vld [tilespmem:s7+$0xCAB0]  }
0x520: {  	v61 =	vld [tilespmem:s7+$0xCAC0]  }
0x521: {  	v62 =	vld [tilespmem:s7+$0xCAD0]  }
0x522: {  	v0 =	vld [tilespmem:s7+$0xCAE0]  }
0x523: {  	[tilespmem:s7+$0x9F00] =	vst.add.f32.msk $0xffff, v1  }
0x524: {  	[tilespmem:s7+$0x9F10] =	vst.add.f32.msk $0xffff, v2  }
0x525: {  	[tilespmem:s7+$0x9F20] =	vst.add.f32.msk $0xffff, v3  }
0x526: {  	[tilespmem:s7+$0x9F30] =	vst.add.f32.msk $0xffff, v4  }
0x527: {  	[tilespmem:s7+$0x9F40] =	vst.add.f32.msk $0xffff, v5  }
0x528: {  	[tilespmem:s7+$0x9F50] =	vst.add.f32.msk $0xffff, v6  }
0x529: {  	[tilespmem:s7+$0x9F60] =	vst.add.f32.msk $0xffff, v7  }
0x52a: {  	[tilespmem:s7+$0x9F70] =	vst.add.f32.msk $0xffff, v8  }
0x52b: {  	[tilespmem:s7+$0x9F80] =	vst.add.f32.msk $0xffff, v9  }
0x52c: {  	[tilespmem:s7+$0x9F90] =	vst.add.f32.msk $0xffff, v10  }
0x52d: {  	[tilespmem:s7+$0x9FA0] =	vst.add.f32.msk $0xffff, v11  }
0x52e: {  	[tilespmem:s7+$0x9FB0] =	vst.add.f32.msk $0xffff, v12  }
0x52f: {  	[tilespmem:s7+$0x9FC0] =	vst.add.f32.msk $0xffff, v13  }
0x530: {  	[tilespmem:s7+$0x9FD0] =	vst.add.f32.msk $0xffff, v14  }
0x531: {  	[tilespmem:s7+$0x9FE0] =	vst.add.f32.msk $0xffff, v15  }
0x532: {  	[tilespmem:s7+$0x9FF0] =	vst.add.f32.msk $0xffff, v16  }
0x533: {  	[tilespmem:s7+$0xA000] =	vst.add.f32.msk $0xffff, v17  }
0x534: {  	[tilespmem:s7+$0xA010] =	vst.add.f32.msk $0xffff, v18  }
0x535: {  	[tilespmem:s7+$0xA020] =	vst.add.f32.msk $0xffff, v19  }
0x536: {  	[tilespmem:s7+$0xA030] =	vst.add.f32.msk $0xffff, v20  }
0x537: {  	[tilespmem:s7+$0xA040] =	vst.add.f32.msk $0xffff, v21  }
0x538: {  	[tilespmem:s7+$0xA050] =	vst.add.f32.msk $0xffff, v22  }
0x539: {  	[tilespmem:s7+$0xA060] =	vst.add.f32.msk $0xffff, v23  }
0x53a: {  	[tilespmem:s7+$0xA070] =	vst.add.f32.msk $0xffff, v24  }
0x53b: {  	[tilespmem:s7+$0xA080] =	vst.add.f32.msk $0xffff, v25  }
0x53c: {  	[tilespmem:s7+$0xA090] =	vst.add.f32.msk $0xffff, v26  }
0x53d: {  	[tilespmem:s7+$0xA0A0] =	vst.add.f32.msk $0xffff, v27  }
0x53e: {  	[tilespmem:s7+$0xA0B0] =	vst.add.f32.msk $0xffff, v28  }
0x53f: {  	[tilespmem:s7+$0xA0C0] =	vst.add.f32.msk $0xffff, v29  }
0x540: {  	[tilespmem:s7+$0xA0D0] =	vst.add.f32.msk $0xffff, v30  }
0x541: {  	[tilespmem:s7+$0xA0E0] =	vst.add.f32.msk $0xffff, v31  }
0x542: {  	[tilespmem:s7+$0xA0F0] =	vst.add.f32.msk $0xffff, v32  }
0x543: {  	[tilespmem:s7+$0xA100] =	vst.add.f32.msk $0xffff, v33  }
0x544: {  	[tilespmem:s7+$0xA110] =	vst.add.f32.msk $0xffff, v34  }
0x545: {  	[tilespmem:s7+$0xA120] =	vst.add.f32.msk $0xffff, v35  }
0x546: {  	[tilespmem:s7+$0xA130] =	vst.add.f32.msk $0xffff, v36  }
0x547: {  	[tilespmem:s7+$0xA140] =	vst.add.f32.msk $0xffff, v37  }
0x548: {  	[tilespmem:s7+$0xA150] =	vst.add.f32.msk $0xffff, v38  }
0x549: {  	[tilespmem:s7+$0xA160] =	vst.add.f32.msk $0xffff, v39  }
0x54a: {  	[tilespmem:s7+$0xA170] =	vst.add.f32.msk $0xffff, v40  }
0x54b: {  	[tilespmem:s7+$0xA180] =	vst.add.f32.msk $0xffff, v41  }
0x54c: {  	[tilespmem:s7+$0xA190] =	vst.add.f32.msk $0xffff, v42  }
0x54d: {  	[tilespmem:s7+$0xA1A0] =	vst.add.f32.msk $0xffff, v43  }
0x54e: {  	[tilespmem:s7+$0xA1B0] =	vst.add.f32.msk $0xffff, v44  }
0x54f: {  	[tilespmem:s7+$0xA1C0] =	vst.add.f32.msk $0xffff, v45  }
0x550: {  	[tilespmem:s7+$0xA1D0] =	vst.add.f32.msk $0xffff, v46  }
0x551: {  	[tilespmem:s7+$0xA1E0] =	vst.add.f32.msk $0xffff, v47  }
0x552: {  	[tilespmem:s7+$0xA1F0] =	vst.add.f32.msk $0xffff, v48  }
0x553: {  	[tilespmem:s7+$0xA200] =	vst.add.f32.msk $0xffff, v49  }
0x554: {  	[tilespmem:s7+$0xA210] =	vst.add.f32.msk $0xffff, v50  }
0x555: {  	[tilespmem:s7+$0xA220] =	vst.add.f32.msk $0xffff, v51  }
0x556: {  	[tilespmem:s7+$0xA230] =	vst.add.f32.msk $0xffff, v52  }
0x557: {  	[tilespmem:s7+$0xA240] =	vst.add.f32.msk $0xffff, v53  }
0x558: {  	[tilespmem:s7+$0xA250] =	vst.add.f32.msk $0xffff, v54  }
0x559: {  	[tilespmem:s7+$0xA260] =	vst.add.f32.msk $0xffff, v55  }
0x55a: {  	[tilespmem:s7+$0xA270] =	vst.add.f32.msk $0xffff, v56  }
0x55b: {  	[tilespmem:s7+$0xA280] =	vst.add.f32.msk $0xffff, v57  }
.Ltmp5:
0x55c: {  	[tilespmem:s7+$0xA290] =	vst.add.f32.msk $0xffff, v58;
	(pc) =	sbr.rel @p0 .LBB2_12-.Ltmp5, $4  }
0x55d: {  	[tilespmem:s7+$0xA2A0] =	vst.add.f32.msk $0xffff, v59  }
0x55e: {  	[tilespmem:s7+$0xA2B0] =	vst.add.f32.msk $0xffff, v60  }
0x55f: {  	[tilespmem:s7+$0xA2C0] =	vst.add.f32.msk $0xffff, v61  }
0x560: {  	s9 =	sadd.s32 $0x1000, s9;
	[tilespmem:s7+$0xA2D0] =	vst.add.f32.msk $0xffff, v62  }
0x561: {  	[tilespmem:s7+$0xA2E0] =	vst.add.f32.msk $0xffff, v0  }
0x562: {  	s0 =	sadd.s32 $0x1, s0;
	s7 =	rddreg [dreg:$0x6]  }
0x563: {  	[hbm4b:s7+s3] =	stream.linear.scatter [tilespmem:s18], [sflag:$0x8], $0x2800, $0x38;
	[tilespmem:$0x13F00] =	vst v63  }
0x564: {  	p0 =	sne.s32 s0, s11;
	_ =	swait.ge [sflag:s28], $0x2800  }
.Ltmp6:
0x565: {  	[sflag:s28] =	ssyncset.done $0x0;
	(pc) =	sbr.rel @p0 .LBB2_1-.Ltmp6, $4  }
0x566: {  	[sflag:s28] =	ssyncadd.s32 $0xFFFFD800  }
0x567: {  	_ =	swait.ge [sflag:s31], $0x2800  }
0x568: {  	[sflag:s31] =	ssyncset.done $0x0  }
0x569: {  	[sflag:s31] =	ssyncadd.s32 $0xFFFFD800  }
0x56a: {  	_ =	sfence.sel $0x180000  }
0x56b: {  	[bflag:$0x0] =	sbarrier.arrive $0xFFFF  }
0x56c: {  	_ =	strace $0x90000047  }
0x56d: {  	s0 =	stileid.u32;
	[bflag:$0x2] =	sbarrier.arrive $0xFFFF  }
0x56e: {  	p0 =	sne.s32 s0, $0x0;
	s0 =	rddreg [dreg:$0x2]  }
0x56f: {  	s0 =	sadd.s32 @!p0 $0x100000, s0  }
0x570: {  	[sflag:s0] =	ssyncadd.tile.s32 @!p0 $0x1;
	_ =	shalt  }
.Lfunc_end2:
_tile_overlayer_lowered:
.L_overlay_start_2:
0x571: {  	(tag) =	ssettag $0x2  }
0x572: {  	s0 =	rddreg [dreg:$0x0];
	s2 =	stileid.u32  }
0x573: {  	s1 =	rddreg [dreg:$0x1];
	p0 =	sne.s32 s2, $0x0  }
0x574: {  	s3 =	rddreg [dreg:$0x2];
	[bflag:$0x3] =	sbarrier.arrive $0xFFFF;
	s2 =	simm.s32 @!p0 $0x1C0A  }
0x575: {  	[timem:s3], [sflag:s2] =	dma.local @!p0 [hbm:s0], s1  }
0x576: {  	s0 =	simm.s32 @!p0 $0xA  }
0x577: {  	_ =	swait.ge @!p0 [sflag:s0], s1  }
0x578: {  	s1 =	ssub.s32 @!p0 $0x0, s1;
	[sflag:s0] =	ssyncset.done @!p0 $0x0  }
0x579: {  	[sflag:s0] =	ssyncadd.s32 @!p0 s1  }
0x57a: {  	[bflag:$0x3] =	sbarrier.arrive $0xFFFF  }
0x57b: {  	_ =	shalt  }

</sc_bundles>
